<compile_context>
chip_gen: v7x
topology: tpu7x:2x2x1
jax: 0.10.2.dev20260603
libtpu: 0.0.44.dev20260713+nightly
codegen_flags: <defaults>
</compile_context>

<pallas_src>
import functools

import jax
import jax.numpy as jnp
from jax import lax
from jax.experimental import pallas as pl
from jax.experimental.pallas import tpu as pltpu
from jax.experimental.pallas import tpu_sc as plsc

VOCAB = 1000
VPAD = 1024
N_TOK = 1024 * 200

NC, NS, L = 2, 16, 16
NW = NC * NS
B_PER_W = N_TOK // NW
CHUNK = 32
N_CHUNKS = B_PER_W // CHUNK


def _lse_body(t_ref, o_ref):
    x = t_ref[...]
    m = jnp.max(x, axis=1, keepdims=True)
    o_ref[...] = jnp.log(jnp.sum(jnp.exp(x - m), axis=1, keepdims=True)) + m


def _row_lse(table):
    return pl.pallas_call(
        _lse_body,
        out_shape=jax.ShapeDtypeStruct((VOCAB, 1), jnp.float32),
    )(table).reshape(VOCAB)


@functools.partial(
    pl.kernel,
    out_type=[
        jax.ShapeDtypeStruct((N_TOK, VPAD), jnp.float32),
        jax.ShapeDtypeStruct((NW * L,), jnp.float32),
    ],
    mesh=plsc.VectorSubcoreMesh(core_axis_name="c", subcore_axis_name="s"),
    compiler_params=pltpu.CompilerParams(
        use_tc_tiling_on_sc=True,
        needs_layout_passes=False,
    ),
    scratch_types=[
        pltpu.VMEM((VOCAB,), jnp.float32),
        pltpu.VMEM((CHUNK,), jnp.int32),
        pltpu.VMEM((CHUNK,), jnp.int32),
        pltpu.VMEM((CHUNK,), jnp.int32),
        pltpu.VMEM((CHUNK,), jnp.int32),
        pltpu.VMEM((CHUNK,), jnp.float32),
        pltpu.VMEM((CHUNK,), jnp.float32),
        pltpu.VMEM((CHUNK, VPAD), jnp.float32),
        pltpu.VMEM((CHUNK, VPAD), jnp.float32),
        pltpu.VMEM((L,), jnp.float32),
        pltpu.SemaphoreType.DMA,
        pltpu.SemaphoreType.DMA,
        pltpu.SemaphoreType.DMA,
        pltpu.SemaphoreType.DMA,
        pltpu.SemaphoreType.DMA,
        pltpu.SemaphoreType.DMA,
    ],
)
def _sc_gather_loss(idx_hbm, tgt_hbm, table_hbm, tflat_hbm, lse_hbm,
                    out_hbm, part_hbm,
                    lse_v, idx0, idx1, fl0, fl1, tv0, tv1, rows0, rows1,
                    acc_v, sg0, sg1, sw0, sw1, st0, st1):
    wid = lax.axis_index("s") * NC + lax.axis_index("c")
    base = wid * B_PER_W
    bufs = ((idx0, fl0, tv0, rows0, sg0, sw0, st0),
            (idx1, fl1, tv1, rows1, sg1, sw1, st1))

    pltpu.sync_copy(lse_hbm, lse_v)
    acc_v[...] = jnp.zeros((L,), jnp.float32)

    def load_itgt(c, idx_b, fl_b, tv_b, st_b):
        off = base + c * CHUNK
        pltpu.sync_copy(idx_hbm.at[pl.ds(off, CHUNK)], idx_b)
        pltpu.sync_copy(tgt_hbm.at[pl.ds(off, CHUNK)], fl_b)
        for j in range(CHUNK // L):
            s = pl.ds(j * L, L)
            fl_b[s] = fl_b[s] + idx_b[s] * VPAD
        pltpu.async_copy(tflat_hbm.at[fl_b], tv_b, st_b)

    def loss(idx_b, fl_b, tv_b, st_b):
        pltpu.make_async_copy(tflat_hbm.at[fl_b], tv_b, st_b).wait()
        for j in range(CHUNK // L):
            s = pl.ds(j * L, L)
            lse_g = plsc.load_gather(lse_v, [idx_b[s]])
            acc_v[...] = acc_v[...] + (lse_g - tv_b[s])

    def visit(c, b, first):
        idx_b, fl_b, tv_b, rows_b, sg_b, sw_b, st_b = bufs[b]
        idx_o, fl_o, tv_o, rows_o, sg_o, sw_o, st_o = bufs[1 - b]
        if not first:
            pltpu.make_async_copy(
                rows_o, out_hbm.at[pl.ds(base, CHUNK)], sw_o).wait()

        @pl.when(c + 1 < N_CHUNKS)
        def _():
            pltpu.async_copy(table_hbm.at[idx_o], rows_o, sg_o)

        pltpu.make_async_copy(table_hbm.at[idx_b], rows_b, sg_b).wait()
        loss(idx_b, fl_b, tv_b, st_b)
        pltpu.async_copy(
            rows_b, out_hbm.at[pl.ds(base + c * CHUNK, CHUNK)], sw_b)

        @pl.when(c + 2 < N_CHUNKS)
        def _():
            load_itgt(c + 2, idx_b, fl_b, tv_b, st_b)

    load_itgt(0, idx0, fl0, tv0, st0)
    load_itgt(1, idx1, fl1, tv1, st1)
    pltpu.async_copy(table_hbm.at[idx0], rows0, sg0)
    visit(jnp.int32(0), 0, True)
    visit(jnp.int32(1), 1, False)

    def pair(p, carry):
        visit(2 * p, 0, False)
        visit(2 * p + 1, 1, False)
        return carry

    lax.fori_loop(1, N_CHUNKS // 2, pair, 0)
    pltpu.make_async_copy(
        rows1, out_hbm.at[pl.ds(base, CHUNK)], sw1).wait()
    pltpu.sync_copy(acc_v, part_hbm.at[pl.ds(wid * L, L)])


def kernel(idx, targets, table):
    idx_f = idx.reshape(N_TOK).astype(jnp.int32)
    tgt_f = targets.reshape(N_TOK).astype(jnp.int32)
    tbl_pad = jnp.pad(table, ((0, 0), (0, VPAD - VOCAB)))
    tbl_flat = tbl_pad.reshape(VOCAB * VPAD)
    lse = _row_lse(table)
    out_pad, parts = _sc_gather_loss(idx_f, tgt_f, tbl_pad, tbl_flat, lse)
    logits2 = out_pad[:, :VOCAB]
    loss = jnp.sum(parts) / jnp.float32(N_TOK)
    return (logits2, loss)

# --- scband reference (transcript-rebuilt; emitter-appended) ---
"""Pipeline reference for scband-bigram-language-model-32306744000777 (READ-ONLY COPY).

The authoritative reference and input builder live on the scoring server;
editing this copy changes nothing except your own understanding.
"""

import jax, jax.numpy as jnp
import numpy as np

VOCAB = 1000
B, T = 1024, 200

def setup_inputs(seed: int = 0) -> dict:
    key = jax.random.key(seed)
    k1, k2, k3 = jax.random.split(key, 3)
    table = jax.random.normal(k1, (VOCAB, VOCAB), dtype=jnp.float32)
    idx = jax.random.randint(k2, (B, T), 0, VOCAB, dtype=jnp.int64 if jax.config.jax_enable_x64 else jnp.int32)
    targets = jax.random.randint(k3, (B, T), 0, VOCAB, dtype=jnp.int64 if jax.config.jax_enable_x64 else jnp.int32)
    return {"idx": idx, "targets": targets, "table": table}

def reference(idx, targets, table):
    # logits = self.token_embedding_table(idx)  -> gather rows of table
    logits = jnp.take(table, idx, axis=0)  # [B, T, C]
    Bn, Tn, C = logits.shape
    logits2 = logits.reshape(Bn * Tn, C)
    tflat = targets.reshape(Bn * Tn)
    # F.cross_entropy(logits, targets) with mean reduction
    logp = jax.nn.log_softmax(logits2, axis=-1)
    nll = -jnp.take_along_axis(logp, tflat[:, None], axis=1).squeeze(1)
    loss = jnp.mean(nll)
    return (logits2, loss)

if __name__ == "__main__":
    import jax
    _d = setup_inputs()
    print(jax.jit(kernel)(*tuple(_d.values())))

</pallas_src>

<mosaic_0001>
#map = affine_map<(d0, d1) -> (0)>
#map1 = affine_map<(d0, d1) -> (0, 0)>
module attributes {stable_mosaic.version = 14 : i64} {
  func.func @_sc_gather_loss(%arg0: i32, %arg1: i32, %arg2: memref<204800xi32, #tpu.memory_space<hbm>>, %arg3: memref<204800xi32, #tpu.memory_space<hbm>>, %arg4: memref<1000x1024xf32, #tpu.memory_space<hbm>>, %arg5: memref<1024000xf32, #tpu.memory_space<hbm>>, %arg6: memref<1000xf32, #tpu.memory_space<hbm>>, %arg7: memref<204800x1024xf32, #tpu.memory_space<hbm>>, %arg8: memref<512xf32, #tpu.memory_space<hbm>>, %arg9: memref<1000xf32, #tpu.memory_space<vmem>>, %arg10: memref<32xi32, #tpu.memory_space<vmem>>, %arg11: memref<32xi32, #tpu.memory_space<vmem>>, %arg12: memref<32xi32, #tpu.memory_space<vmem>>, %arg13: memref<32xi32, #tpu.memory_space<vmem>>, %arg14: memref<32xf32, #tpu.memory_space<vmem>>, %arg15: memref<32xf32, #tpu.memory_space<vmem>>, %arg16: memref<32x1024xf32, #tpu.memory_space<vmem>>, %arg17: memref<32x1024xf32, #tpu.memory_space<vmem>>, %arg18: memref<16xf32, #tpu.memory_space<vmem>>, %arg19: memref<!tpu.dma_semaphore, #tpu.memory_space<semaphore_mem>>, %arg20: memref<!tpu.dma_semaphore, #tpu.memory_space<semaphore_mem>>, %arg21: memref<!tpu.dma_semaphore, #tpu.memory_space<semaphore_mem>>, %arg22: memref<!tpu.dma_semaphore, #tpu.memory_space<semaphore_mem>>, %arg23: memref<!tpu.dma_semaphore, #tpu.memory_space<semaphore_mem>>, %arg24: memref<!tpu.dma_semaphore, #tpu.memory_space<semaphore_mem>>) attributes {dimension_semantics = [#tpu.dimension_semantics<core_parallel>, #tpu.dimension_semantics<subcore_parallel>], iteration_bounds = array<i64: 2, 16>, scalar_prefetch = 0 : i64, scratch_operands = 16 : i64, tpu.core_type = #tpu.core_type<sc_vector_subcore>, window_params = [{transform_indices = #map}, {transform_indices = #map}, {transform_indices = #map1}, {transform_indices = #map}, {transform_indices = #map}, {transform_indices = #map1}, {transform_indices = #map}]} {
    %mul3A = arith.constant 2 : i32
    %mul3A_0 = arith.muli %arg1, %mul3A : i32
    %add3A = arith.addi %mul3A_0, %arg0 : i32
    %mul3A_1 = arith.constant 6400 : i32
    %mul3A_2 = arith.muli %add3A, %mul3A_1 : i32
    "tpu.region"() ({
      %run_scoped3A = tpu.sem_alloc : memref<!tpu.dma_semaphore, #tpu.memory_space<semaphore_mem>>
      tpu.enqueue_dma source(%arg6 : memref<1000xf32, #tpu.memory_space<hbm>>) target(%arg9 : memref<1000xf32, #tpu.memory_space<vmem>>) target_semaphore(%run_scoped3A : memref<!tpu.dma_semaphore, #tpu.memory_space<semaphore_mem>>)
      tpu.wait_dma2 semaphore(%run_scoped3A : memref<!tpu.dma_semaphore, #tpu.memory_space<semaphore_mem>>) src(%arg6 : memref<1000xf32, #tpu.memory_space<hbm>>) dst(%arg9 : memref<1000xf32, #tpu.memory_space<vmem>>)
      tpu.yield
    }) : () -> ()
    %broadcast_in_dim3A = arith.constant 0.000000e+00 : f32
    %broadcast_in_dim3A_3 = vector.broadcast %broadcast_in_dim3A : f32 to vector<16xf32>
    %swap3A = arith.constant 0 : index
    %swap3A_4 = tpu.vector_load %arg18[%swap3A] {strides = array<i32>} : memref<16xf32, #tpu.memory_space<vmem>>, vector<16xf32>,
    tpu.vector_store %arg18[%swap3A], %broadcast_in_dim3A_3 {strides = array<i32>} : memref<16xf32, #tpu.memory_space<vmem>>, vector<16xf32>,
    %add3A_5 = arith.constant 0 : i32
    %add3A_6 = arith.addi %mul3A_2, %add3A_5 : i32
    "tpu.region"() ({
      %run_scoped3A = tpu.sem_alloc : memref<!tpu.dma_semaphore, #tpu.memory_space<semaphore_mem>>
      %dma_start3A_167 = tpu.memref_slice %arg2[%add3A_6] : memref<204800xi32, #tpu.memory_space<hbm>> -> memref<32xi32, #tpu.memory_space<hbm>>
      %dma_start3A_168 = tpu.memref_slice %arg2[%add3A_6] : memref<204800xi32, #tpu.memory_space<hbm>> -> memref<32xi32, #tpu.memory_space<hbm>>
      tpu.enqueue_dma source(%dma_start3A_168 : memref<32xi32, #tpu.memory_space<hbm>>) target(%arg10 : memref<32xi32, #tpu.memory_space<vmem>>) target_semaphore(%run_scoped3A : memref<!tpu.dma_semaphore, #tpu.memory_space<semaphore_mem>>)
      %dma_wait3A_169 = tpu.memref_slice %arg2[%add3A_6] : memref<204800xi32, #tpu.memory_space<hbm>> -> memref<32xi32, #tpu.memory_space<hbm>>
      %dma_wait3A_170 = tpu.memref_slice %arg2[%add3A_6] : memref<204800xi32, #tpu.memory_space<hbm>> -> memref<32xi32, #tpu.memory_space<hbm>>
      tpu.wait_dma2 semaphore(%run_scoped3A : memref<!tpu.dma_semaphore, #tpu.memory_space<semaphore_mem>>) src(%dma_wait3A_170 : memref<32xi32, #tpu.memory_space<hbm>>) dst(%arg10 : memref<32xi32, #tpu.memory_space<vmem>>)
      tpu.yield
    }) : () -> ()
    "tpu.region"() ({
      %run_scoped3A = tpu.sem_alloc : memref<!tpu.dma_semaphore, #tpu.memory_space<semaphore_mem>>
      %dma_start3A_167 = tpu.memref_slice %arg3[%add3A_6] : memref<204800xi32, #tpu.memory_space<hbm>> -> memref<32xi32, #tpu.memory_space<hbm>>
      %dma_start3A_168 = tpu.memref_slice %arg3[%add3A_6] : memref<204800xi32, #tpu.memory_space<hbm>> -> memref<32xi32, #tpu.memory_space<hbm>>
      tpu.enqueue_dma source(%dma_start3A_168 : memref<32xi32, #tpu.memory_space<hbm>>) target(%arg12 : memref<32xi32, #tpu.memory_space<vmem>>) target_semaphore(%run_scoped3A : memref<!tpu.dma_semaphore, #tpu.memory_space<semaphore_mem>>)
      %dma_wait3A_169 = tpu.memref_slice %arg3[%add3A_6] : memref<204800xi32, #tpu.memory_space<hbm>> -> memref<32xi32, #tpu.memory_space<hbm>>
      %dma_wait3A_170 = tpu.memref_slice %arg3[%add3A_6] : memref<204800xi32, #tpu.memory_space<hbm>> -> memref<32xi32, #tpu.memory_space<hbm>>
      tpu.wait_dma2 semaphore(%run_scoped3A : memref<!tpu.dma_semaphore, #tpu.memory_space<semaphore_mem>>) src(%dma_wait3A_170 : memref<32xi32, #tpu.memory_space<hbm>>) dst(%arg12 : memref<32xi32, #tpu.memory_space<vmem>>)
      tpu.yield
    }) : () -> ()
    %get3A = arith.constant 0 : index
    %get3A_7 = tpu.vector_load %arg12[%get3A] {strides = array<i32>} : memref<32xi32, #tpu.memory_space<vmem>>, vector<16xi32>,
    %get3A_8 = arith.constant 0 : index
    %get3A_9 = tpu.vector_load %arg10[%get3A_8] {strides = array<i32>} : memref<32xi32, #tpu.memory_space<vmem>>, vector<16xi32>,
    %mul3A_10 = arith.constant 1024 : i32
    %mul3A_11 = vector.broadcast %mul3A_10 : i32 to vector<16xi32>
    %mul3A_12 = arith.muli %get3A_9, %mul3A_11 : vector<16xi32>
    %add3A_13 = arith.addi %get3A_7, %mul3A_12 : vector<16xi32>
    %swap3A_14 = arith.constant 0 : index
    %swap3A_15 = tpu.vector_load %arg12[%swap3A_14] {strides = array<i32>} : memref<32xi32, #tpu.memory_space<vmem>>, vector<16xi32>,
    tpu.vector_store %arg12[%swap3A_14], %add3A_13 {strides = array<i32>} : memref<32xi32, #tpu.memory_space<vmem>>, vector<16xi32>,
    %get3A_16 = arith.constant 16 : index
    %get3A_17 = tpu.vector_load %arg12[%get3A_16] {strides = array<i32>} : memref<32xi32, #tpu.memory_space<vmem>>, vector<16xi32>,
    %get3A_18 = arith.constant 16 : index
    %get3A_19 = tpu.vector_load %arg10[%get3A_18] {strides = array<i32>} : memref<32xi32, #tpu.memory_space<vmem>>, vector<16xi32>,
    %mul3A_20 = arith.constant 1024 : i32
    %mul3A_21 = vector.broadcast %mul3A_20 : i32 to vector<16xi32>
    %mul3A_22 = arith.muli %get3A_19, %mul3A_21 : vector<16xi32>
    %add3A_23 = arith.addi %get3A_17, %mul3A_22 : vector<16xi32>
    %swap3A_24 = arith.constant 16 : index
    %swap3A_25 = tpu.vector_load %arg12[%swap3A_24] {strides = array<i32>} : memref<32xi32, #tpu.memory_space<vmem>>, vector<16xi32>,
    tpu.vector_store %arg12[%swap3A_24], %add3A_23 {strides = array<i32>} : memref<32xi32, #tpu.memory_space<vmem>>, vector<16xi32>,
    %dma_start3A = arith.constant 0 : i32
    %dma_start3A_26 = tpu.memref_slice %arg5[%dma_start3A] : memref<1024000xf32, #tpu.memory_space<hbm>> -> memref<1024000xf32, #tpu.memory_space<hbm>>
    tpu.enqueue_indirect_dma source(%dma_start3A_26 : memref<1024000xf32, #tpu.memory_space<hbm>>) target(%arg14 : memref<32xf32, #tpu.memory_space<vmem>>) offsets(%arg12 : memref<32xi32, #tpu.memory_space<vmem>>) semaphore(%arg23 : memref<!tpu.dma_semaphore, #tpu.memory_space<semaphore_mem>>)
    %add3A_27 = arith.constant 32 : i32
    %add3A_28 = arith.addi %mul3A_2, %add3A_27 : i32
    "tpu.region"() ({
      %run_scoped3A = tpu.sem_alloc : memref<!tpu.dma_semaphore, #tpu.memory_space<semaphore_mem>>
      %dma_start3A_167 = tpu.memref_slice %arg2[%add3A_28] : memref<204800xi32, #tpu.memory_space<hbm>> -> memref<32xi32, #tpu.memory_space<hbm>>
      %dma_start3A_168 = tpu.memref_slice %arg2[%add3A_28] : memref<204800xi32, #tpu.memory_space<hbm>> -> memref<32xi32, #tpu.memory_space<hbm>>
      tpu.enqueue_dma source(%dma_start3A_168 : memref<32xi32, #tpu.memory_space<hbm>>) target(%arg11 : memref<32xi32, #tpu.memory_space<vmem>>) target_semaphore(%run_scoped3A : memref<!tpu.dma_semaphore, #tpu.memory_space<semaphore_mem>>)
      %dma_wait3A_169 = tpu.memref_slice %arg2[%add3A_28] : memref<204800xi32, #tpu.memory_space<hbm>> -> memref<32xi32, #tpu.memory_space<hbm>>
      %dma_wait3A_170 = tpu.memref_slice %arg2[%add3A_28] : memref<204800xi32, #tpu.memory_space<hbm>> -> memref<32xi32, #tpu.memory_space<hbm>>
      tpu.wait_dma2 semaphore(%run_scoped3A : memref<!tpu.dma_semaphore, #tpu.memory_space<semaphore_mem>>) src(%dma_wait3A_170 : memref<32xi32, #tpu.memory_space<hbm>>) dst(%arg11 : memref<32xi32, #tpu.memory_space<vmem>>)
      tpu.yield
    }) : () -> ()
    "tpu.region"() ({
      %run_scoped3A = tpu.sem_alloc : memref<!tpu.dma_semaphore, #tpu.memory_space<semaphore_mem>>
      %dma_start3A_167 = tpu.memref_slice %arg3[%add3A_28] : memref<204800xi32, #tpu.memory_space<hbm>> -> memref<32xi32, #tpu.memory_space<hbm>>
      %dma_start3A_168 = tpu.memref_slice %arg3[%add3A_28] : memref<204800xi32, #tpu.memory_space<hbm>> -> memref<32xi32, #tpu.memory_space<hbm>>
      tpu.enqueue_dma source(%dma_start3A_168 : memref<32xi32, #tpu.memory_space<hbm>>) target(%arg13 : memref<32xi32, #tpu.memory_space<vmem>>) target_semaphore(%run_scoped3A : memref<!tpu.dma_semaphore, #tpu.memory_space<semaphore_mem>>)
      %dma_wait3A_169 = tpu.memref_slice %arg3[%add3A_28] : memref<204800xi32, #tpu.memory_space<hbm>> -> memref<32xi32, #tpu.memory_space<hbm>>
      %dma_wait3A_170 = tpu.memref_slice %arg3[%add3A_28] : memref<204800xi32, #tpu.memory_space<hbm>> -> memref<32xi32, #tpu.memory_space<hbm>>
      tpu.wait_dma2 semaphore(%run_scoped3A : memref<!tpu.dma_semaphore, #tpu.memory_space<semaphore_mem>>) src(%dma_wait3A_170 : memref<32xi32, #tpu.memory_space<hbm>>) dst(%arg13 : memref<32xi32, #tpu.memory_space<vmem>>)
      tpu.yield
    }) : () -> ()
    %get3A_29 = arith.constant 0 : index
    %get3A_30 = tpu.vector_load %arg13[%get3A_29] {strides = array<i32>} : memref<32xi32, #tpu.memory_space<vmem>>, vector<16xi32>,
    %get3A_31 = arith.constant 0 : index
    %get3A_32 = tpu.vector_load %arg11[%get3A_31] {strides = array<i32>} : memref<32xi32, #tpu.memory_space<vmem>>, vector<16xi32>,
    %mul3A_33 = arith.constant 1024 : i32
    %mul3A_34 = vector.broadcast %mul3A_33 : i32 to vector<16xi32>
    %mul3A_35 = arith.muli %get3A_32, %mul3A_34 : vector<16xi32>
    %add3A_36 = arith.addi %get3A_30, %mul3A_35 : vector<16xi32>
    %swap3A_37 = arith.constant 0 : index
    %swap3A_38 = tpu.vector_load %arg13[%swap3A_37] {strides = array<i32>} : memref<32xi32, #tpu.memory_space<vmem>>, vector<16xi32>,
    tpu.vector_store %arg13[%swap3A_37], %add3A_36 {strides = array<i32>} : memref<32xi32, #tpu.memory_space<vmem>>, vector<16xi32>,
    %get3A_39 = arith.constant 16 : index
    %get3A_40 = tpu.vector_load %arg13[%get3A_39] {strides = array<i32>} : memref<32xi32, #tpu.memory_space<vmem>>, vector<16xi32>,
    %get3A_41 = arith.constant 16 : index
    %get3A_42 = tpu.vector_load %arg11[%get3A_41] {strides = array<i32>} : memref<32xi32, #tpu.memory_space<vmem>>, vector<16xi32>,
    %mul3A_43 = arith.constant 1024 : i32
    %mul3A_44 = vector.broadcast %mul3A_43 : i32 to vector<16xi32>
    %mul3A_45 = arith.muli %get3A_42, %mul3A_44 : vector<16xi32>
    %add3A_46 = arith.addi %get3A_40, %mul3A_45 : vector<16xi32>
    %swap3A_47 = arith.constant 16 : index
    %swap3A_48 = tpu.vector_load %arg13[%swap3A_47] {strides = array<i32>} : memref<32xi32, #tpu.memory_space<vmem>>, vector<16xi32>,
    tpu.vector_store %arg13[%swap3A_47], %add3A_46 {strides = array<i32>} : memref<32xi32, #tpu.memory_space<vmem>>, vector<16xi32>,
    %dma_start3A_49 = arith.constant 0 : i32
    %dma_start3A_50 = tpu.memref_slice %arg5[%dma_start3A_49] : memref<1024000xf32, #tpu.memory_space<hbm>> -> memref<1024000xf32, #tpu.memory_space<hbm>>
    tpu.enqueue_indirect_dma source(%dma_start3A_50 : memref<1024000xf32, #tpu.memory_space<hbm>>) target(%arg15 : memref<32xf32, #tpu.memory_space<vmem>>) offsets(%arg13 : memref<32xi32, #tpu.memory_space<vmem>>) semaphore(%arg24 : memref<!tpu.dma_semaphore, #tpu.memory_space<semaphore_mem>>)
    %dma_start3A_51 = arith.constant 0 : i32
    %dma_start3A_52 = arith.constant 0 : i32
    %dma_start3A_53 = tpu.memref_slice %arg4[%dma_start3A_51, %dma_start3A_52] : memref<1000x1024xf32, #tpu.memory_space<hbm>> -> memref<1000x1024xf32, #tpu.memory_space<hbm>>
    tpu.enqueue_indirect_dma source(%dma_start3A_53 : memref<1000x1024xf32, #tpu.memory_space<hbm>>) target(%arg16 : memref<32x1024xf32, #tpu.memory_space<vmem>>) offsets(%arg10 : memref<32xi32, #tpu.memory_space<vmem>>) semaphore(%arg19 : memref<!tpu.dma_semaphore, #tpu.memory_space<semaphore_mem>>)
    %add3A_54 = arith.constant 0 : i32
    %add3A_55 = arith.constant 1 : i32
    %add3A_56 = arith.addi %add3A_54, %add3A_55 : i32
    %lt3A = arith.constant 200 : i32
    %lt3A_57 = arith.cmpi slt, %add3A_56, %lt3A : i32
    %convert_element_type3A = arith.extui %lt3A_57 : i1 to i32
    %cond3A = arith.constant 0 : i32
    %cond3A_58 = arith.cmpi ne, %convert_element_type3A, %cond3A : i32
    scf.if %cond3A_58 {
      %dma_start3A_167 = arith.constant 0 : i32
      %dma_start3A_168 = arith.constant 0 : i32
      %dma_start3A_169 = tpu.memref_slice %arg4[%dma_start3A_167, %dma_start3A_168] : memref<1000x1024xf32, #tpu.memory_space<hbm>> -> memref<1000x1024xf32, #tpu.memory_space<hbm>>
      tpu.enqueue_indirect_dma source(%dma_start3A_169 : memref<1000x1024xf32, #tpu.memory_space<hbm>>) target(%arg17 : memref<32x1024xf32, #tpu.memory_space<vmem>>) offsets(%arg11 : memref<32xi32, #tpu.memory_space<vmem>>) semaphore(%arg20 : memref<!tpu.dma_semaphore, #tpu.memory_space<semaphore_mem>>)
    } else {
    }
    %dma_wait3A = arith.constant 0 : i32
    %dma_wait3A_59 = arith.constant 0 : i32
    %dma_wait3A_60 = tpu.memref_slice %arg4[%dma_wait3A, %dma_wait3A_59] : memref<1000x1024xf32, #tpu.memory_space<hbm>> -> memref<1000x1024xf32, #tpu.memory_space<hbm>>
    tpu.wait_indirect_dma semaphore(%arg19 : memref<!tpu.dma_semaphore, #tpu.memory_space<semaphore_mem>>) src(%dma_wait3A_60 : memref<1000x1024xf32, #tpu.memory_space<hbm>>) dst(%arg16 : memref<32x1024xf32, #tpu.memory_space<vmem>>)
    %dma_wait3A_61 = arith.constant 0 : i32
    %dma_wait3A_62 = tpu.memref_slice %arg5[%dma_wait3A_61] : memref<1024000xf32, #tpu.memory_space<hbm>> -> memref<1024000xf32, #tpu.memory_space<hbm>>
    tpu.wait_indirect_dma semaphore(%arg23 : memref<!tpu.dma_semaphore, #tpu.memory_space<semaphore_mem>>) src(%dma_wait3A_62 : memref<1024000xf32, #tpu.memory_space<hbm>>) dst(%arg14 : memref<32xf32, #tpu.memory_space<vmem>>)
    %get3A_63 = arith.constant 0 : index
    %get3A_64 = tpu.vector_load %arg10[%get3A_63] {strides = array<i32>} : memref<32xi32, #tpu.memory_space<vmem>>, vector<16xi32>,
    %gather3A = tpu.vector_load_idx %arg9[%get3A_64] : memref<1000xf32, #tpu.memory_space<vmem>>[vector<16xi32>], vector<16xf32>,
    %get3A_65 = arith.constant 0 : index
    %get3A_66 = tpu.vector_load %arg18[%get3A_65] {strides = array<i32>} : memref<16xf32, #tpu.memory_space<vmem>>, vector<16xf32>,
    %get3A_67 = arith.constant 0 : index
    %get3A_68 = tpu.vector_load %arg14[%get3A_67] {strides = array<i32>} : memref<32xf32, #tpu.memory_space<vmem>>, vector<16xf32>,
    %sub3A = arith.subf %gather3A, %get3A_68 : vector<16xf32>
    %add3A_69 = arith.addf %get3A_66, %sub3A : vector<16xf32>
    %swap3A_70 = arith.constant 0 : index
    %swap3A_71 = tpu.vector_load %arg18[%swap3A_70] {strides = array<i32>} : memref<16xf32, #tpu.memory_space<vmem>>, vector<16xf32>,
    tpu.vector_store %arg18[%swap3A_70], %add3A_69 {strides = array<i32>} : memref<16xf32, #tpu.memory_space<vmem>>, vector<16xf32>,
    %get3A_72 = arith.constant 16 : index
    %get3A_73 = tpu.vector_load %arg10[%get3A_72] {strides = array<i32>} : memref<32xi32, #tpu.memory_space<vmem>>, vector<16xi32>,
    %gather3A_74 = tpu.vector_load_idx %arg9[%get3A_73] : memref<1000xf32, #tpu.memory_space<vmem>>[vector<16xi32>], vector<16xf32>,
    %get3A_75 = arith.constant 0 : index
    %get3A_76 = tpu.vector_load %arg18[%get3A_75] {strides = array<i32>} : memref<16xf32, #tpu.memory_space<vmem>>, vector<16xf32>,
    %get3A_77 = arith.constant 16 : index
    %get3A_78 = tpu.vector_load %arg14[%get3A_77] {strides = array<i32>} : memref<32xf32, #tpu.memory_space<vmem>>, vector<16xf32>,
    %sub3A_79 = arith.subf %gather3A_74, %get3A_78 : vector<16xf32>
    %add3A_80 = arith.addf %get3A_76, %sub3A_79 : vector<16xf32>
    %swap3A_81 = arith.constant 0 : index
    %swap3A_82 = tpu.vector_load %arg18[%swap3A_81] {strides = array<i32>} : memref<16xf32, #tpu.memory_space<vmem>>, vector<16xf32>,
    tpu.vector_store %arg18[%swap3A_81], %add3A_80 {strides = array<i32>} : memref<16xf32, #tpu.memory_space<vmem>>, vector<16xf32>,
    %mul3A_83 = arith.constant 0 : i32
    %mul3A_84 = arith.constant 32 : i32
    %mul3A_85 = arith.muli %mul3A_83, %mul3A_84 : i32
    %add3A_86 = arith.addi %mul3A_2, %mul3A_85 : i32
    %dma_start3A_87 = arith.constant 0 : i32
    %dma_start3A_88 = tpu.memref_slice %arg7[%add3A_86, %dma_start3A_87] : memref<204800x1024xf32, #tpu.memory_space<hbm>> -> memref<32x1024xf32, #tpu.memory_space<hbm>>
    %dma_start3A_89 = arith.constant 0 : i32
    %dma_start3A_90 = tpu.memref_slice %arg7[%add3A_86, %dma_start3A_89] : memref<204800x1024xf32, #tpu.memory_space<hbm>> -> memref<32x1024xf32, #tpu.memory_space<hbm>>
    tpu.enqueue_dma source(%arg16 : memref<32x1024xf32, #tpu.memory_space<vmem>>) target(%dma_start3A_90 : memref<32x1024xf32, #tpu.memory_space<hbm>>) target_semaphore(%arg21 : memref<!tpu.dma_semaphore, #tpu.memory_space<semaphore_mem>>)
    %add3A_91 = arith.constant 0 : i32
    %add3A_92 = arith.constant 2 : i32
    %add3A_93 = arith.addi %add3A_91, %add3A_92 : i32
    %lt3A_94 = arith.constant 200 : i32
    %lt3A_95 = arith.cmpi slt, %add3A_93, %lt3A_94 : i32
    %convert_element_type3A_96 = arith.extui %lt3A_95 : i1 to i32
    %cond3A_97 = arith.constant 0 : i32
    %cond3A_98 = arith.constant 0 : i32
    %cond3A_99 = arith.cmpi ne, %convert_element_type3A_96, %cond3A_98 : i32
    scf.if %cond3A_99 {
      %add3A_167 = arith.constant 2 : i32
      %add3A_168 = arith.addi %cond3A_97, %add3A_167 : i32
      %mul3A_169 = arith.constant 32 : i32
      %mul3A_170 = arith.muli %add3A_168, %mul3A_169 : i32
      %add3A_171 = arith.addi %mul3A_2, %mul3A_170 : i32
      "tpu.region"() ({
        %run_scoped3A = tpu.sem_alloc : memref<!tpu.dma_semaphore, #tpu.memory_space<semaphore_mem>>
        %dma_start3A_194 = tpu.memref_slice %arg2[%add3A_171] : memref<204800xi32, #tpu.memory_space<hbm>> -> memref<32xi32, #tpu.memory_space<hbm>>
        %dma_start3A_195 = tpu.memref_slice %arg2[%add3A_171] : memref<204800xi32, #tpu.memory_space<hbm>> -> memref<32xi32, #tpu.memory_space<hbm>>
        tpu.enqueue_dma source(%dma_start3A_195 : memref<32xi32, #tpu.memory_space<hbm>>) target(%arg10 : memref<32xi32, #tpu.memory_space<vmem>>) target_semaphore(%run_scoped3A : memref<!tpu.dma_semaphore, #tpu.memory_space<semaphore_mem>>)
        %dma_wait3A_196 = tpu.memref_slice %arg2[%add3A_171] : memref<204800xi32, #tpu.memory_space<hbm>> -> memref<32xi32, #tpu.memory_space<hbm>>
        %dma_wait3A_197 = tpu.memref_slice %arg2[%add3A_171] : memref<204800xi32, #tpu.memory_space<hbm>> -> memref<32xi32, #tpu.memory_space<hbm>>
        tpu.wait_dma2 semaphore(%run_scoped3A : memref<!tpu.dma_semaphore, #tpu.memory_space<semaphore_mem>>) src(%dma_wait3A_197 : memref<32xi32, #tpu.memory_space<hbm>>) dst(%arg10 : memref<32xi32, #tpu.memory_space<vmem>>)
        tpu.yield
      }) : () -> ()
      "tpu.region"() ({
        %run_scoped3A = tpu.sem_alloc : memref<!tpu.dma_semaphore, #tpu.memory_space<semaphore_mem>>
        %dma_start3A_194 = tpu.memref_slice %arg3[%add3A_171] : memref<204800xi32, #tpu.memory_space<hbm>> -> memref<32xi32, #tpu.memory_space<hbm>>
        %dma_start3A_195 = tpu.memref_slice %arg3[%add3A_171] : memref<204800xi32, #tpu.memory_space<hbm>> -> memref<32xi32, #tpu.memory_space<hbm>>
        tpu.enqueue_dma source(%dma_start3A_195 : memref<32xi32, #tpu.memory_space<hbm>>) target(%arg12 : memref<32xi32, #tpu.memory_space<vmem>>) target_semaphore(%run_scoped3A : memref<!tpu.dma_semaphore, #tpu.memory_space<semaphore_mem>>)
        %dma_wait3A_196 = tpu.memref_slice %arg3[%add3A_171] : memref<204800xi32, #tpu.memory_space<hbm>> -> memref<32xi32, #tpu.memory_space<hbm>>
        %dma_wait3A_197 = tpu.memref_slice %arg3[%add3A_171] : memref<204800xi32, #tpu.memory_space<hbm>> -> memref<32xi32, #tpu.memory_space<hbm>>
        tpu.wait_dma2 semaphore(%run_scoped3A : memref<!tpu.dma_semaphore, #tpu.memory_space<semaphore_mem>>) src(%dma_wait3A_197 : memref<32xi32, #tpu.memory_space<hbm>>) dst(%arg12 : memref<32xi32, #tpu.memory_space<vmem>>)
        tpu.yield
      }) : () -> ()
      %get3A_172 = arith.constant 0 : index
      %get3A_173 = tpu.vector_load %arg12[%get3A_172] {strides = array<i32>} : memref<32xi32, #tpu.memory_space<vmem>>, vector<16xi32>,
      %get3A_174 = arith.constant 0 : index
      %get3A_175 = tpu.vector_load %arg10[%get3A_174] {strides = array<i32>} : memref<32xi32, #tpu.memory_space<vmem>>, vector<16xi32>,
      %mul3A_176 = arith.constant 1024 : i32
      %mul3A_177 = vector.broadcast %mul3A_176 : i32 to vector<16xi32>
      %mul3A_178 = arith.muli %get3A_175, %mul3A_177 : vector<16xi32>
      %add3A_179 = arith.addi %get3A_173, %mul3A_178 : vector<16xi32>
      %swap3A_180 = arith.constant 0 : index
      %swap3A_181 = tpu.vector_load %arg12[%swap3A_180] {strides = array<i32>} : memref<32xi32, #tpu.memory_space<vmem>>, vector<16xi32>,
      tpu.vector_store %arg12[%swap3A_180], %add3A_179 {strides = array<i32>} : memref<32xi32, #tpu.memory_space<vmem>>, vector<16xi32>,
      %get3A_182 = arith.constant 16 : index
      %get3A_183 = tpu.vector_load %arg12[%get3A_182] {strides = array<i32>} : memref<32xi32, #tpu.memory_space<vmem>>, vector<16xi32>,
      %get3A_184 = arith.constant 16 : index
      %get3A_185 = tpu.vector_load %arg10[%get3A_184] {strides = array<i32>} : memref<32xi32, #tpu.memory_space<vmem>>, vector<16xi32>,
      %mul3A_186 = arith.constant 1024 : i32
      %mul3A_187 = vector.broadcast %mul3A_186 : i32 to vector<16xi32>
      %mul3A_188 = arith.muli %get3A_185, %mul3A_187 : vector<16xi32>
      %add3A_189 = arith.addi %get3A_183, %mul3A_188 : vector<16xi32>
      %swap3A_190 = arith.constant 16 : index
      %swap3A_191 = tpu.vector_load %arg12[%swap3A_190] {strides = array<i32>} : memref<32xi32, #tpu.memory_space<vmem>>, vector<16xi32>,
      tpu.vector_store %arg12[%swap3A_190], %add3A_189 {strides = array<i32>} : memref<32xi32, #tpu.memory_space<vmem>>, vector<16xi32>,
      %dma_start3A_192 = arith.constant 0 : i32
      %dma_start3A_193 = tpu.memref_slice %arg5[%dma_start3A_192] : memref<1024000xf32, #tpu.memory_space<hbm>> -> memref<1024000xf32, #tpu.memory_space<hbm>>
      tpu.enqueue_indirect_dma source(%dma_start3A_193 : memref<1024000xf32, #tpu.memory_space<hbm>>) target(%arg14 : memref<32xf32, #tpu.memory_space<vmem>>) offsets(%arg12 : memref<32xi32, #tpu.memory_space<vmem>>) semaphore(%arg23 : memref<!tpu.dma_semaphore, #tpu.memory_space<semaphore_mem>>)
    } else {
    }
    %dma_wait3A_100 = arith.constant 0 : i32
    %dma_wait3A_101 = tpu.memref_slice %arg7[%mul3A_2, %dma_wait3A_100] : memref<204800x1024xf32, #tpu.memory_space<hbm>> -> memref<32x1024xf32, #tpu.memory_space<hbm>>
    %dma_wait3A_102 = arith.constant 0 : i32
    %dma_wait3A_103 = tpu.memref_slice %arg7[%mul3A_2, %dma_wait3A_102] : memref<204800x1024xf32, #tpu.memory_space<hbm>> -> memref<32x1024xf32, #tpu.memory_space<hbm>>
    tpu.wait_dma2 semaphore(%arg21 : memref<!tpu.dma_semaphore, #tpu.memory_space<semaphore_mem>>) src(%arg16 : memref<32x1024xf32, #tpu.memory_space<vmem>>) dst(%dma_wait3A_103 : memref<32x1024xf32, #tpu.memory_space<hbm>>)
    %add3A_104 = arith.constant 1 : i32
    %add3A_105 = arith.constant 1 : i32
    %add3A_106 = arith.addi %add3A_104, %add3A_105 : i32
    %lt3A_107 = arith.constant 200 : i32
    %lt3A_108 = arith.cmpi slt, %add3A_106, %lt3A_107 : i32
    %convert_element_type3A_109 = arith.extui %lt3A_108 : i1 to i32
    %cond3A_110 = arith.constant 0 : i32
    %cond3A_111 = arith.cmpi ne, %convert_element_type3A_109, %cond3A_110 : i32
    scf.if %cond3A_111 {
      %dma_start3A_167 = arith.constant 0 : i32
      %dma_start3A_168 = arith.constant 0 : i32
      %dma_start3A_169 = tpu.memref_slice %arg4[%dma_start3A_167, %dma_start3A_168] : memref<1000x1024xf32, #tpu.memory_space<hbm>> -> memref<1000x1024xf32, #tpu.memory_space<hbm>>
      tpu.enqueue_indirect_dma source(%dma_start3A_169 : memref<1000x1024xf32, #tpu.memory_space<hbm>>) target(%arg16 : memref<32x1024xf32, #tpu.memory_space<vmem>>) offsets(%arg10 : memref<32xi32, #tpu.memory_space<vmem>>) semaphore(%arg19 : memref<!tpu.dma_semaphore, #tpu.memory_space<semaphore_mem>>)
    } else {
    }
    %dma_wait3A_112 = arith.constant 0 : i32
    %dma_wait3A_113 = arith.constant 0 : i32
    %dma_wait3A_114 = tpu.memref_slice %arg4[%dma_wait3A_112, %dma_wait3A_113] : memref<1000x1024xf32, #tpu.memory_space<hbm>> -> memref<1000x1024xf32, #tpu.memory_space<hbm>>
    tpu.wait_indirect_dma semaphore(%arg20 : memref<!tpu.dma_semaphore, #tpu.memory_space<semaphore_mem>>) src(%dma_wait3A_114 : memref<1000x1024xf32, #tpu.memory_space<hbm>>) dst(%arg17 : memref<32x1024xf32, #tpu.memory_space<vmem>>)
    %dma_wait3A_115 = arith.constant 0 : i32
    %dma_wait3A_116 = tpu.memref_slice %arg5[%dma_wait3A_115] : memref<1024000xf32, #tpu.memory_space<hbm>> -> memref<1024000xf32, #tpu.memory_space<hbm>>
    tpu.wait_indirect_dma semaphore(%arg24 : memref<!tpu.dma_semaphore, #tpu.memory_space<semaphore_mem>>) src(%dma_wait3A_116 : memref<1024000xf32, #tpu.memory_space<hbm>>) dst(%arg15 : memref<32xf32, #tpu.memory_space<vmem>>)
    %get3A_117 = arith.constant 0 : index
    %get3A_118 = tpu.vector_load %arg11[%get3A_117] {strides = array<i32>} : memref<32xi32, #tpu.memory_space<vmem>>, vector<16xi32>,
    %gather3A_119 = tpu.vector_load_idx %arg9[%get3A_118] : memref<1000xf32, #tpu.memory_space<vmem>>[vector<16xi32>], vector<16xf32>,
    %get3A_120 = arith.constant 0 : index
    %get3A_121 = tpu.vector_load %arg18[%get3A_120] {strides = array<i32>} : memref<16xf32, #tpu.memory_space<vmem>>, vector<16xf32>,
    %get3A_122 = arith.constant 0 : index
    %get3A_123 = tpu.vector_load %arg15[%get3A_122] {strides = array<i32>} : memref<32xf32, #tpu.memory_space<vmem>>, vector<16xf32>,
    %sub3A_124 = arith.subf %gather3A_119, %get3A_123 : vector<16xf32>
    %add3A_125 = arith.addf %get3A_121, %sub3A_124 : vector<16xf32>
    %swap3A_126 = arith.constant 0 : index
    %swap3A_127 = tpu.vector_load %arg18[%swap3A_126] {strides = array<i32>} : memref<16xf32, #tpu.memory_space<vmem>>, vector<16xf32>,
    tpu.vector_store %arg18[%swap3A_126], %add3A_125 {strides = array<i32>} : memref<16xf32, #tpu.memory_space<vmem>>, vector<16xf32>,
    %get3A_128 = arith.constant 16 : index
    %get3A_129 = tpu.vector_load %arg11[%get3A_128] {strides = array<i32>} : memref<32xi32, #tpu.memory_space<vmem>>, vector<16xi32>,
    %gather3A_130 = tpu.vector_load_idx %arg9[%get3A_129] : memref<1000xf32, #tpu.memory_space<vmem>>[vector<16xi32>], vector<16xf32>,
    %get3A_131 = arith.constant 0 : index
    %get3A_132 = tpu.vector_load %arg18[%get3A_131] {strides = array<i32>} : memref<16xf32, #tpu.memory_space<vmem>>, vector<16xf32>,
    %get3A_133 = arith.constant 16 : index
    %get3A_134 = tpu.vector_load %arg15[%get3A_133] {strides = array<i32>} : memref<32xf32, #tpu.memory_space<vmem>>, vector<16xf32>,
    %sub3A_135 = arith.subf %gather3A_130, %get3A_134 : vector<16xf32>
    %add3A_136 = arith.addf %get3A_132, %sub3A_135 : vector<16xf32>
    %swap3A_137 = arith.constant 0 : index
    %swap3A_138 = tpu.vector_load %arg18[%swap3A_137] {strides = array<i32>} : memref<16xf32, #tpu.memory_space<vmem>>, vector<16xf32>,
    tpu.vector_store %arg18[%swap3A_137], %add3A_136 {strides = array<i32>} : memref<16xf32, #tpu.memory_space<vmem>>, vector<16xf32>,
    %mul3A_139 = arith.constant 1 : i32
    %mul3A_140 = arith.constant 32 : i32
    %mul3A_141 = arith.muli %mul3A_139, %mul3A_140 : i32
    %add3A_142 = arith.addi %mul3A_2, %mul3A_141 : i32
    %dma_start3A_143 = arith.constant 0 : i32
    %dma_start3A_144 = tpu.memref_slice %arg7[%add3A_142, %dma_start3A_143] : memref<204800x1024xf32, #tpu.memory_space<hbm>> -> memref<32x1024xf32, #tpu.memory_space<hbm>>
    %dma_start3A_145 = arith.constant 0 : i32
    %dma_start3A_146 = tpu.memref_slice %arg7[%add3A_142, %dma_start3A_145] : memref<204800x1024xf32, #tpu.memory_space<hbm>> -> memref<32x1024xf32, #tpu.memory_space<hbm>>
    tpu.enqueue_dma source(%arg17 : memref<32x1024xf32, #tpu.memory_space<vmem>>) target(%dma_start3A_146 : memref<32x1024xf32, #tpu.memory_space<hbm>>) target_semaphore(%arg22 : memref<!tpu.dma_semaphore, #tpu.memory_space<semaphore_mem>>)
    %add3A_147 = arith.constant 1 : i32
    %add3A_148 = arith.constant 2 : i32
    %add3A_149 = arith.addi %add3A_147, %add3A_148 : i32
    %lt3A_150 = arith.constant 200 : i32
    %lt3A_151 = arith.cmpi slt, %add3A_149, %lt3A_150 : i32
    %convert_element_type3A_152 = arith.extui %lt3A_151 : i1 to i32
    %cond3A_153 = arith.constant 1 : i32
    %cond3A_154 = arith.constant 0 : i32
    %cond3A_155 = arith.cmpi ne, %convert_element_type3A_152, %cond3A_154 : i32
    scf.if %cond3A_155 {
      %add3A_167 = arith.constant 2 : i32
      %add3A_168 = arith.addi %cond3A_153, %add3A_167 : i32
      %mul3A_169 = arith.constant 32 : i32
      %mul3A_170 = arith.muli %add3A_168, %mul3A_169 : i32
      %add3A_171 = arith.addi %mul3A_2, %mul3A_170 : i32
      "tpu.region"() ({
        %run_scoped3A = tpu.sem_alloc : memref<!tpu.dma_semaphore, #tpu.memory_space<semaphore_mem>>
        %dma_start3A_194 = tpu.memref_slice %arg2[%add3A_171] : memref<204800xi32, #tpu.memory_space<hbm>> -> memref<32xi32, #tpu.memory_space<hbm>>
        %dma_start3A_195 = tpu.memref_slice %arg2[%add3A_171] : memref<204800xi32, #tpu.memory_space<hbm>> -> memref<32xi32, #tpu.memory_space<hbm>>
        tpu.enqueue_dma source(%dma_start3A_195 : memref<32xi32, #tpu.memory_space<hbm>>) target(%arg11 : memref<32xi32, #tpu.memory_space<vmem>>) target_semaphore(%run_scoped3A : memref<!tpu.dma_semaphore, #tpu.memory_space<semaphore_mem>>)
        %dma_wait3A_196 = tpu.memref_slice %arg2[%add3A_171] : memref<204800xi32, #tpu.memory_space<hbm>> -> memref<32xi32, #tpu.memory_space<hbm>>
        %dma_wait3A_197 = tpu.memref_slice %arg2[%add3A_171] : memref<204800xi32, #tpu.memory_space<hbm>> -> memref<32xi32, #tpu.memory_space<hbm>>
        tpu.wait_dma2 semaphore(%run_scoped3A : memref<!tpu.dma_semaphore, #tpu.memory_space<semaphore_mem>>) src(%dma_wait3A_197 : memref<32xi32, #tpu.memory_space<hbm>>) dst(%arg11 : memref<32xi32, #tpu.memory_space<vmem>>)
        tpu.yield
      }) : () -> ()
      "tpu.region"() ({
        %run_scoped3A = tpu.sem_alloc : memref<!tpu.dma_semaphore, #tpu.memory_space<semaphore_mem>>
        %dma_start3A_194 = tpu.memref_slice %arg3[%add3A_171] : memref<204800xi32, #tpu.memory_space<hbm>> -> memref<32xi32, #tpu.memory_space<hbm>>
        %dma_start3A_195 = tpu.memref_slice %arg3[%add3A_171] : memref<204800xi32, #tpu.memory_space<hbm>> -> memref<32xi32, #tpu.memory_space<hbm>>
        tpu.enqueue_dma source(%dma_start3A_195 : memref<32xi32, #tpu.memory_space<hbm>>) target(%arg13 : memref<32xi32, #tpu.memory_space<vmem>>) target_semaphore(%run_scoped3A : memref<!tpu.dma_semaphore, #tpu.memory_space<semaphore_mem>>)
        %dma_wait3A_196 = tpu.memref_slice %arg3[%add3A_171] : memref<204800xi32, #tpu.memory_space<hbm>> -> memref<32xi32, #tpu.memory_space<hbm>>
        %dma_wait3A_197 = tpu.memref_slice %arg3[%add3A_171] : memref<204800xi32, #tpu.memory_space<hbm>> -> memref<32xi32, #tpu.memory_space<hbm>>
        tpu.wait_dma2 semaphore(%run_scoped3A : memref<!tpu.dma_semaphore, #tpu.memory_space<semaphore_mem>>) src(%dma_wait3A_197 : memref<32xi32, #tpu.memory_space<hbm>>) dst(%arg13 : memref<32xi32, #tpu.memory_space<vmem>>)
        tpu.yield
      }) : () -> ()
      %get3A_172 = arith.constant 0 : index
      %get3A_173 = tpu.vector_load %arg13[%get3A_172] {strides = array<i32>} : memref<32xi32, #tpu.memory_space<vmem>>, vector<16xi32>,
      %get3A_174 = arith.constant 0 : index
      %get3A_175 = tpu.vector_load %arg11[%get3A_174] {strides = array<i32>} : memref<32xi32, #tpu.memory_space<vmem>>, vector<16xi32>,
      %mul3A_176 = arith.constant 1024 : i32
      %mul3A_177 = vector.broadcast %mul3A_176 : i32 to vector<16xi32>
      %mul3A_178 = arith.muli %get3A_175, %mul3A_177 : vector<16xi32>
      %add3A_179 = arith.addi %get3A_173, %mul3A_178 : vector<16xi32>
      %swap3A_180 = arith.constant 0 : index
      %swap3A_181 = tpu.vector_load %arg13[%swap3A_180] {strides = array<i32>} : memref<32xi32, #tpu.memory_space<vmem>>, vector<16xi32>,
      tpu.vector_store %arg13[%swap3A_180], %add3A_179 {strides = array<i32>} : memref<32xi32, #tpu.memory_space<vmem>>, vector<16xi32>,
      %get3A_182 = arith.constant 16 : index
      %get3A_183 = tpu.vector_load %arg13[%get3A_182] {strides = array<i32>} : memref<32xi32, #tpu.memory_space<vmem>>, vector<16xi32>,
      %get3A_184 = arith.constant 16 : index
      %get3A_185 = tpu.vector_load %arg11[%get3A_184] {strides = array<i32>} : memref<32xi32, #tpu.memory_space<vmem>>, vector<16xi32>,
      %mul3A_186 = arith.constant 1024 : i32
      %mul3A_187 = vector.broadcast %mul3A_186 : i32 to vector<16xi32>
      %mul3A_188 = arith.muli %get3A_185, %mul3A_187 : vector<16xi32>
      %add3A_189 = arith.addi %get3A_183, %mul3A_188 : vector<16xi32>
      %swap3A_190 = arith.constant 16 : index
      %swap3A_191 = tpu.vector_load %arg13[%swap3A_190] {strides = array<i32>} : memref<32xi32, #tpu.memory_space<vmem>>, vector<16xi32>,
      tpu.vector_store %arg13[%swap3A_190], %add3A_189 {strides = array<i32>} : memref<32xi32, #tpu.memory_space<vmem>>, vector<16xi32>,
      %dma_start3A_192 = arith.constant 0 : i32
      %dma_start3A_193 = tpu.memref_slice %arg5[%dma_start3A_192] : memref<1024000xf32, #tpu.memory_space<hbm>> -> memref<1024000xf32, #tpu.memory_space<hbm>>
      tpu.enqueue_indirect_dma source(%dma_start3A_193 : memref<1024000xf32, #tpu.memory_space<hbm>>) target(%arg15 : memref<32xf32, #tpu.memory_space<vmem>>) offsets(%arg13 : memref<32xi32, #tpu.memory_space<vmem>>) semaphore(%arg24 : memref<!tpu.dma_semaphore, #tpu.memory_space<semaphore_mem>>)
    } else {
    }
    %scan3A = arith.constant 0 : i32
    %scan3A_156 = arith.constant 1 : i32
    %scan3A_157 = arith.constant 99 : i32
    %scan3A_158 = arith.addi %scan3A_156, %scan3A_157 : i32
    %scan3A_159 = arith.constant 1 : i32
    scf.for %scan3A_167 = %scan3A_156 to %scan3A_158 step %scan3A_159  : i32 {
      %mul3A_168 = arith.constant 2 : i32
      %mul3A_169 = arith.muli %mul3A_168, %scan3A_167 : i32
      %dma_wait3A_170 = arith.constant 0 : i32
      %dma_wait3A_171 = tpu.memref_slice %arg7[%mul3A_2, %dma_wait3A_170] : memref<204800x1024xf32, #tpu.memory_space<hbm>> -> memref<32x1024xf32, #tpu.memory_space<hbm>>
      %dma_wait3A_172 = arith.constant 0 : i32
      %dma_wait3A_173 = tpu.memref_slice %arg7[%mul3A_2, %dma_wait3A_172] : memref<204800x1024xf32, #tpu.memory_space<hbm>> -> memref<32x1024xf32, #tpu.memory_space<hbm>>
      tpu.wait_dma2 semaphore(%arg22 : memref<!tpu.dma_semaphore, #tpu.memory_space<semaphore_mem>>) src(%arg17 : memref<32x1024xf32, #tpu.memory_space<vmem>>) dst(%dma_wait3A_173 : memref<32x1024xf32, #tpu.memory_space<hbm>>)
      %add3A_174 = arith.constant 1 : i32
      %add3A_175 = arith.addi %mul3A_169, %add3A_174 : i32
      %lt3A_176 = arith.constant 200 : i32
      %lt3A_177 = arith.cmpi slt, %add3A_175, %lt3A_176 : i32
      %convert_element_type3A_178 = arith.extui %lt3A_177 : i1 to i32
      %cond3A_179 = arith.constant 0 : i32
      %cond3A_180 = arith.cmpi ne, %convert_element_type3A_178, %cond3A_179 : i32
      scf.if %cond3A_180 {
        %dma_start3A_278 = arith.constant 0 : i32
        %dma_start3A_279 = arith.constant 0 : i32
        %dma_start3A_280 = tpu.memref_slice %arg4[%dma_start3A_278, %dma_start3A_279] : memref<1000x1024xf32, #tpu.memory_space<hbm>> -> memref<1000x1024xf32, #tpu.memory_space<hbm>>
        tpu.enqueue_indirect_dma source(%dma_start3A_280 : memref<1000x1024xf32, #tpu.memory_space<hbm>>) target(%arg17 : memref<32x1024xf32, #tpu.memory_space<vmem>>) offsets(%arg11 : memref<32xi32, #tpu.memory_space<vmem>>) semaphore(%arg20 : memref<!tpu.dma_semaphore, #tpu.memory_space<semaphore_mem>>)
      } else {
      }
      %dma_wait3A_181 = arith.constant 0 : i32
      %dma_wait3A_182 = arith.constant 0 : i32
      %dma_wait3A_183 = tpu.memref_slice %arg4[%dma_wait3A_181, %dma_wait3A_182] : memref<1000x1024xf32, #tpu.memory_space<hbm>> -> memref<1000x1024xf32, #tpu.memory_space<hbm>>
      tpu.wait_indirect_dma semaphore(%arg19 : memref<!tpu.dma_semaphore, #tpu.memory_space<semaphore_mem>>) src(%dma_wait3A_183 : memref<1000x1024xf32, #tpu.memory_space<hbm>>) dst(%arg16 : memref<32x1024xf32, #tpu.memory_space<vmem>>)
      %dma_wait3A_184 = arith.constant 0 : i32
      %dma_wait3A_185 = tpu.memref_slice %arg5[%dma_wait3A_184] : memref<1024000xf32, #tpu.memory_space<hbm>> -> memref<1024000xf32, #tpu.memory_space<hbm>>
      tpu.wait_indirect_dma semaphore(%arg23 : memref<!tpu.dma_semaphore, #tpu.memory_space<semaphore_mem>>) src(%dma_wait3A_185 : memref<1024000xf32, #tpu.memory_space<hbm>>) dst(%arg14 : memref<32xf32, #tpu.memory_space<vmem>>)
      %get3A_186 = arith.constant 0 : index
      %get3A_187 = tpu.vector_load %arg10[%get3A_186] {strides = array<i32>} : memref<32xi32, #tpu.memory_space<vmem>>, vector<16xi32>,
      %gather3A_188 = tpu.vector_load_idx %arg9[%get3A_187] : memref<1000xf32, #tpu.memory_space<vmem>>[vector<16xi32>], vector<16xf32>,
      %get3A_189 = arith.constant 0 : index
      %get3A_190 = tpu.vector_load %arg18[%get3A_189] {strides = array<i32>} : memref<16xf32, #tpu.memory_space<vmem>>, vector<16xf32>,
      %get3A_191 = arith.constant 0 : index
      %get3A_192 = tpu.vector_load %arg14[%get3A_191] {strides = array<i32>} : memref<32xf32, #tpu.memory_space<vmem>>, vector<16xf32>,
      %sub3A_193 = arith.subf %gather3A_188, %get3A_192 : vector<16xf32>
      %add3A_194 = arith.addf %get3A_190, %sub3A_193 : vector<16xf32>
      %swap3A_195 = arith.constant 0 : index
      %swap3A_196 = tpu.vector_load %arg18[%swap3A_195] {strides = array<i32>} : memref<16xf32, #tpu.memory_space<vmem>>, vector<16xf32>,
      tpu.vector_store %arg18[%swap3A_195], %add3A_194 {strides = array<i32>} : memref<16xf32, #tpu.memory_space<vmem>>, vector<16xf32>,
      %get3A_197 = arith.constant 16 : index
      %get3A_198 = tpu.vector_load %arg10[%get3A_197] {strides = array<i32>} : memref<32xi32, #tpu.memory_space<vmem>>, vector<16xi32>,
      %gather3A_199 = tpu.vector_load_idx %arg9[%get3A_198] : memref<1000xf32, #tpu.memory_space<vmem>>[vector<16xi32>], vector<16xf32>,
      %get3A_200 = arith.constant 0 : index
      %get3A_201 = tpu.vector_load %arg18[%get3A_200] {strides = array<i32>} : memref<16xf32, #tpu.memory_space<vmem>>, vector<16xf32>,
      %get3A_202 = arith.constant 16 : index
      %get3A_203 = tpu.vector_load %arg14[%get3A_202] {strides = array<i32>} : memref<32xf32, #tpu.memory_space<vmem>>, vector<16xf32>,
      %sub3A_204 = arith.subf %gather3A_199, %get3A_203 : vector<16xf32>
      %add3A_205 = arith.addf %get3A_201, %sub3A_204 : vector<16xf32>
      %swap3A_206 = arith.constant 0 : index
      %swap3A_207 = tpu.vector_load %arg18[%swap3A_206] {strides = array<i32>} : memref<16xf32, #tpu.memory_space<vmem>>, vector<16xf32>,
      tpu.vector_store %arg18[%swap3A_206], %add3A_205 {strides = array<i32>} : memref<16xf32, #tpu.memory_space<vmem>>, vector<16xf32>,
      %mul3A_208 = arith.constant 32 : i32
      %mul3A_209 = arith.muli %mul3A_169, %mul3A_208 : i32
      %add3A_210 = arith.addi %mul3A_2, %mul3A_209 : i32
      %dma_start3A_211 = arith.constant 0 : i32
      %dma_start3A_212 = tpu.memref_slice %arg7[%add3A_210, %dma_start3A_211] : memref<204800x1024xf32, #tpu.memory_space<hbm>> -> memref<32x1024xf32, #tpu.memory_space<hbm>>
      %dma_start3A_213 = arith.constant 0 : i32
      %dma_start3A_214 = tpu.memref_slice %arg7[%add3A_210, %dma_start3A_213] : memref<204800x1024xf32, #tpu.memory_space<hbm>> -> memref<32x1024xf32, #tpu.memory_space<hbm>>
      tpu.enqueue_dma source(%arg16 : memref<32x1024xf32, #tpu.memory_space<vmem>>) target(%dma_start3A_214 : memref<32x1024xf32, #tpu.memory_space<hbm>>) target_semaphore(%arg21 : memref<!tpu.dma_semaphore, #tpu.memory_space<semaphore_mem>>)
      %add3A_215 = arith.constant 2 : i32
      %add3A_216 = arith.addi %mul3A_169, %add3A_215 : i32
      %lt3A_217 = arith.constant 200 : i32
      %lt3A_218 = arith.cmpi slt, %add3A_216, %lt3A_217 : i32
      %convert_element_type3A_219 = arith.extui %lt3A_218 : i1 to i32
      %cond3A_220 = arith.constant 0 : i32
      %cond3A_221 = arith.cmpi ne, %convert_element_type3A_219, %cond3A_220 : i32
      scf.if %cond3A_221 {
        %add3A_278 = arith.constant 2 : i32
        %add3A_279 = arith.addi %mul3A_169, %add3A_278 : i32
        %mul3A_280 = arith.constant 32 : i32
        %mul3A_281 = arith.muli %add3A_279, %mul3A_280 : i32
        %add3A_282 = arith.addi %mul3A_2, %mul3A_281 : i32
        "tpu.region"() ({
          %run_scoped3A = tpu.sem_alloc : memref<!tpu.dma_semaphore, #tpu.memory_space<semaphore_mem>>
          %dma_start3A_305 = tpu.memref_slice %arg2[%add3A_282] : memref<204800xi32, #tpu.memory_space<hbm>> -> memref<32xi32, #tpu.memory_space<hbm>>
          %dma_start3A_306 = tpu.memref_slice %arg2[%add3A_282] : memref<204800xi32, #tpu.memory_space<hbm>> -> memref<32xi32, #tpu.memory_space<hbm>>
          tpu.enqueue_dma source(%dma_start3A_306 : memref<32xi32, #tpu.memory_space<hbm>>) target(%arg10 : memref<32xi32, #tpu.memory_space<vmem>>) target_semaphore(%run_scoped3A : memref<!tpu.dma_semaphore, #tpu.memory_space<semaphore_mem>>)
          %dma_wait3A_307 = tpu.memref_slice %arg2[%add3A_282] : memref<204800xi32, #tpu.memory_space<hbm>> -> memref<32xi32, #tpu.memory_space<hbm>>
          %dma_wait3A_308 = tpu.memref_slice %arg2[%add3A_282] : memref<204800xi32, #tpu.memory_space<hbm>> -> memref<32xi32, #tpu.memory_space<hbm>>
          tpu.wait_dma2 semaphore(%run_scoped3A : memref<!tpu.dma_semaphore, #tpu.memory_space<semaphore_mem>>) src(%dma_wait3A_308 : memref<32xi32, #tpu.memory_space<hbm>>) dst(%arg10 : memref<32xi32, #tpu.memory_space<vmem>>)
          tpu.yield
        }) : () -> ()
        "tpu.region"() ({
          %run_scoped3A = tpu.sem_alloc : memref<!tpu.dma_semaphore, #tpu.memory_space<semaphore_mem>>
          %dma_start3A_305 = tpu.memref_slice %arg3[%add3A_282] : memref<204800xi32, #tpu.memory_space<hbm>> -> memref<32xi32, #tpu.memory_space<hbm>>
          %dma_start3A_306 = tpu.memref_slice %arg3[%add3A_282] : memref<204800xi32, #tpu.memory_space<hbm>> -> memref<32xi32, #tpu.memory_space<hbm>>
          tpu.enqueue_dma source(%dma_start3A_306 : memref<32xi32, #tpu.memory_space<hbm>>) target(%arg12 : memref<32xi32, #tpu.memory_space<vmem>>) target_semaphore(%run_scoped3A : memref<!tpu.dma_semaphore, #tpu.memory_space<semaphore_mem>>)
          %dma_wait3A_307 = tpu.memref_slice %arg3[%add3A_282] : memref<204800xi32, #tpu.memory_space<hbm>> -> memref<32xi32, #tpu.memory_space<hbm>>
          %dma_wait3A_308 = tpu.memref_slice %arg3[%add3A_282] : memref<204800xi32, #tpu.memory_space<hbm>> -> memref<32xi32, #tpu.memory_space<hbm>>
          tpu.wait_dma2 semaphore(%run_scoped3A : memref<!tpu.dma_semaphore, #tpu.memory_space<semaphore_mem>>) src(%dma_wait3A_308 : memref<32xi32, #tpu.memory_space<hbm>>) dst(%arg12 : memref<32xi32, #tpu.memory_space<vmem>>)
          tpu.yield
        }) : () -> ()
        %get3A_283 = arith.constant 0 : index
        %get3A_284 = tpu.vector_load %arg12[%get3A_283] {strides = array<i32>} : memref<32xi32, #tpu.memory_space<vmem>>, vector<16xi32>,
        %get3A_285 = arith.constant 0 : index
        %get3A_286 = tpu.vector_load %arg10[%get3A_285] {strides = array<i32>} : memref<32xi32, #tpu.memory_space<vmem>>, vector<16xi32>,
        %mul3A_287 = arith.constant 1024 : i32
        %mul3A_288 = vector.broadcast %mul3A_287 : i32 to vector<16xi32>
        %mul3A_289 = arith.muli %get3A_286, %mul3A_288 : vector<16xi32>
        %add3A_290 = arith.addi %get3A_284, %mul3A_289 : vector<16xi32>
        %swap3A_291 = arith.constant 0 : index
        %swap3A_292 = tpu.vector_load %arg12[%swap3A_291] {strides = array<i32>} : memref<32xi32, #tpu.memory_space<vmem>>, vector<16xi32>,
        tpu.vector_store %arg12[%swap3A_291], %add3A_290 {strides = array<i32>} : memref<32xi32, #tpu.memory_space<vmem>>, vector<16xi32>,
        %get3A_293 = arith.constant 16 : index
        %get3A_294 = tpu.vector_load %arg12[%get3A_293] {strides = array<i32>} : memref<32xi32, #tpu.memory_space<vmem>>, vector<16xi32>,
        %get3A_295 = arith.constant 16 : index
        %get3A_296 = tpu.vector_load %arg10[%get3A_295] {strides = array<i32>} : memref<32xi32, #tpu.memory_space<vmem>>, vector<16xi32>,
        %mul3A_297 = arith.constant 1024 : i32
        %mul3A_298 = vector.broadcast %mul3A_297 : i32 to vector<16xi32>
        %mul3A_299 = arith.muli %get3A_296, %mul3A_298 : vector<16xi32>
        %add3A_300 = arith.addi %get3A_294, %mul3A_299 : vector<16xi32>
        %swap3A_301 = arith.constant 16 : index
        %swap3A_302 = tpu.vector_load %arg12[%swap3A_301] {strides = array<i32>} : memref<32xi32, #tpu.memory_space<vmem>>, vector<16xi32>,
        tpu.vector_store %arg12[%swap3A_301], %add3A_300 {strides = array<i32>} : memref<32xi32, #tpu.memory_space<vmem>>, vector<16xi32>,
        %dma_start3A_303 = arith.constant 0 : i32
        %dma_start3A_304 = tpu.memref_slice %arg5[%dma_start3A_303] : memref<1024000xf32, #tpu.memory_space<hbm>> -> memref<1024000xf32, #tpu.memory_space<hbm>>
        tpu.enqueue_indirect_dma source(%dma_start3A_304 : memref<1024000xf32, #tpu.memory_space<hbm>>) target(%arg14 : memref<32xf32, #tpu.memory_space<vmem>>) offsets(%arg12 : memref<32xi32, #tpu.memory_space<vmem>>) semaphore(%arg23 : memref<!tpu.dma_semaphore, #tpu.memory_space<semaphore_mem>>)
      } else {
      }
      %mul3A_222 = arith.constant 2 : i32
      %mul3A_223 = arith.muli %mul3A_222, %scan3A_167 : i32
      %add3A_224 = arith.constant 1 : i32
      %add3A_225 = arith.addi %mul3A_223, %add3A_224 : i32
      %dma_wait3A_226 = arith.constant 0 : i32
      %dma_wait3A_227 = tpu.memref_slice %arg7[%mul3A_2, %dma_wait3A_226] : memref<204800x1024xf32, #tpu.memory_space<hbm>> -> memref<32x1024xf32, #tpu.memory_space<hbm>>
      %dma_wait3A_228 = arith.constant 0 : i32
      %dma_wait3A_229 = tpu.memref_slice %arg7[%mul3A_2, %dma_wait3A_228] : memref<204800x1024xf32, #tpu.memory_space<hbm>> -> memref<32x1024xf32, #tpu.memory_space<hbm>>
      tpu.wait_dma2 semaphore(%arg21 : memref<!tpu.dma_semaphore, #tpu.memory_space<semaphore_mem>>) src(%arg16 : memref<32x1024xf32, #tpu.memory_space<vmem>>) dst(%dma_wait3A_229 : memref<32x1024xf32, #tpu.memory_space<hbm>>)
      %add3A_230 = arith.constant 1 : i32
      %add3A_231 = arith.addi %add3A_225, %add3A_230 : i32
      %lt3A_232 = arith.constant 200 : i32
      %lt3A_233 = arith.cmpi slt, %add3A_231, %lt3A_232 : i32
      %convert_element_type3A_234 = arith.extui %lt3A_233 : i1 to i32
      %cond3A_235 = arith.constant 0 : i32
      %cond3A_236 = arith.cmpi ne, %convert_element_type3A_234, %cond3A_235 : i32
      scf.if %cond3A_236 {
        %dma_start3A_278 = arith.constant 0 : i32
        %dma_start3A_279 = arith.constant 0 : i32
        %dma_start3A_280 = tpu.memref_slice %arg4[%dma_start3A_278, %dma_start3A_279] : memref<1000x1024xf32, #tpu.memory_space<hbm>> -> memref<1000x1024xf32, #tpu.memory_space<hbm>>
        tpu.enqueue_indirect_dma source(%dma_start3A_280 : memref<1000x1024xf32, #tpu.memory_space<hbm>>) target(%arg16 : memref<32x1024xf32, #tpu.memory_space<vmem>>) offsets(%arg10 : memref<32xi32, #tpu.memory_space<vmem>>) semaphore(%arg19 : memref<!tpu.dma_semaphore, #tpu.memory_space<semaphore_mem>>)
      } else {
      }
      %dma_wait3A_237 = arith.constant 0 : i32
      %dma_wait3A_238 = arith.constant 0 : i32
      %dma_wait3A_239 = tpu.memref_slice %arg4[%dma_wait3A_237, %dma_wait3A_238] : memref<1000x1024xf32, #tpu.memory_space<hbm>> -> memref<1000x1024xf32, #tpu.memory_space<hbm>>
      tpu.wait_indirect_dma semaphore(%arg20 : memref<!tpu.dma_semaphore, #tpu.memory_space<semaphore_mem>>) src(%dma_wait3A_239 : memref<1000x1024xf32, #tpu.memory_space<hbm>>) dst(%arg17 : memref<32x1024xf32, #tpu.memory_space<vmem>>)
      %dma_wait3A_240 = arith.constant 0 : i32
      %dma_wait3A_241 = tpu.memref_slice %arg5[%dma_wait3A_240] : memref<1024000xf32, #tpu.memory_space<hbm>> -> memref<1024000xf32, #tpu.memory_space<hbm>>
      tpu.wait_indirect_dma semaphore(%arg24 : memref<!tpu.dma_semaphore, #tpu.memory_space<semaphore_mem>>) src(%dma_wait3A_241 : memref<1024000xf32, #tpu.memory_space<hbm>>) dst(%arg15 : memref<32xf32, #tpu.memory_space<vmem>>)
      %get3A_242 = arith.constant 0 : index
      %get3A_243 = tpu.vector_load %arg11[%get3A_242] {strides = array<i32>} : memref<32xi32, #tpu.memory_space<vmem>>, vector<16xi32>,
      %gather3A_244 = tpu.vector_load_idx %arg9[%get3A_243] : memref<1000xf32, #tpu.memory_space<vmem>>[vector<16xi32>], vector<16xf32>,
      %get3A_245 = arith.constant 0 : index
      %get3A_246 = tpu.vector_load %arg18[%get3A_245] {strides = array<i32>} : memref<16xf32, #tpu.memory_space<vmem>>, vector<16xf32>,
      %get3A_247 = arith.constant 0 : index
      %get3A_248 = tpu.vector_load %arg15[%get3A_247] {strides = array<i32>} : memref<32xf32, #tpu.memory_space<vmem>>, vector<16xf32>,
      %sub3A_249 = arith.subf %gather3A_244, %get3A_248 : vector<16xf32>
      %add3A_250 = arith.addf %get3A_246, %sub3A_249 : vector<16xf32>
      %swap3A_251 = arith.constant 0 : index
      %swap3A_252 = tpu.vector_load %arg18[%swap3A_251] {strides = array<i32>} : memref<16xf32, #tpu.memory_space<vmem>>, vector<16xf32>,
      tpu.vector_store %arg18[%swap3A_251], %add3A_250 {strides = array<i32>} : memref<16xf32, #tpu.memory_space<vmem>>, vector<16xf32>,
      %get3A_253 = arith.constant 16 : index
      %get3A_254 = tpu.vector_load %arg11[%get3A_253] {strides = array<i32>} : memref<32xi32, #tpu.memory_space<vmem>>, vector<16xi32>,
      %gather3A_255 = tpu.vector_load_idx %arg9[%get3A_254] : memref<1000xf32, #tpu.memory_space<vmem>>[vector<16xi32>], vector<16xf32>,
      %get3A_256 = arith.constant 0 : index
      %get3A_257 = tpu.vector_load %arg18[%get3A_256] {strides = array<i32>} : memref<16xf32, #tpu.memory_space<vmem>>, vector<16xf32>,
      %get3A_258 = arith.constant 16 : index
      %get3A_259 = tpu.vector_load %arg15[%get3A_258] {strides = array<i32>} : memref<32xf32, #tpu.memory_space<vmem>>, vector<16xf32>,
      %sub3A_260 = arith.subf %gather3A_255, %get3A_259 : vector<16xf32>
      %add3A_261 = arith.addf %get3A_257, %sub3A_260 : vector<16xf32>
      %swap3A_262 = arith.constant 0 : index
      %swap3A_263 = tpu.vector_load %arg18[%swap3A_262] {strides = array<i32>} : memref<16xf32, #tpu.memory_space<vmem>>, vector<16xf32>,
      tpu.vector_store %arg18[%swap3A_262], %add3A_261 {strides = array<i32>} : memref<16xf32, #tpu.memory_space<vmem>>, vector<16xf32>,
      %mul3A_264 = arith.constant 32 : i32
      %mul3A_265 = arith.muli %add3A_225, %mul3A_264 : i32
      %add3A_266 = arith.addi %mul3A_2, %mul3A_265 : i32
      %dma_start3A_267 = arith.constant 0 : i32
      %dma_start3A_268 = tpu.memref_slice %arg7[%add3A_266, %dma_start3A_267] : memref<204800x1024xf32, #tpu.memory_space<hbm>> -> memref<32x1024xf32, #tpu.memory_space<hbm>>
      %dma_start3A_269 = arith.constant 0 : i32
      %dma_start3A_270 = tpu.memref_slice %arg7[%add3A_266, %dma_start3A_269] : memref<204800x1024xf32, #tpu.memory_space<hbm>> -> memref<32x1024xf32, #tpu.memory_space<hbm>>
      tpu.enqueue_dma source(%arg17 : memref<32x1024xf32, #tpu.memory_space<vmem>>) target(%dma_start3A_270 : memref<32x1024xf32, #tpu.memory_space<hbm>>) target_semaphore(%arg22 : memref<!tpu.dma_semaphore, #tpu.memory_space<semaphore_mem>>)
      %add3A_271 = arith.constant 2 : i32
      %add3A_272 = arith.addi %add3A_225, %add3A_271 : i32
      %lt3A_273 = arith.constant 200 : i32
      %lt3A_274 = arith.cmpi slt, %add3A_272, %lt3A_273 : i32
      %convert_element_type3A_275 = arith.extui %lt3A_274 : i1 to i32
      %cond3A_276 = arith.constant 0 : i32
      %cond3A_277 = arith.cmpi ne, %convert_element_type3A_275, %cond3A_276 : i32
      scf.if %cond3A_277 {
        %add3A_278 = arith.constant 2 : i32
        %add3A_279 = arith.addi %add3A_225, %add3A_278 : i32
        %mul3A_280 = arith.constant 32 : i32
        %mul3A_281 = arith.muli %add3A_279, %mul3A_280 : i32
        %add3A_282 = arith.addi %mul3A_2, %mul3A_281 : i32
        "tpu.region"() ({
          %run_scoped3A = tpu.sem_alloc : memref<!tpu.dma_semaphore, #tpu.memory_space<semaphore_mem>>
          %dma_start3A_305 = tpu.memref_slice %arg2[%add3A_282] : memref<204800xi32, #tpu.memory_space<hbm>> -> memref<32xi32, #tpu.memory_space<hbm>>
          %dma_start3A_306 = tpu.memref_slice %arg2[%add3A_282] : memref<204800xi32, #tpu.memory_space<hbm>> -> memref<32xi32, #tpu.memory_space<hbm>>
          tpu.enqueue_dma source(%dma_start3A_306 : memref<32xi32, #tpu.memory_space<hbm>>) target(%arg11 : memref<32xi32, #tpu.memory_space<vmem>>) target_semaphore(%run_scoped3A : memref<!tpu.dma_semaphore, #tpu.memory_space<semaphore_mem>>)
          %dma_wait3A_307 = tpu.memref_slice %arg2[%add3A_282] : memref<204800xi32, #tpu.memory_space<hbm>> -> memref<32xi32, #tpu.memory_space<hbm>>
          %dma_wait3A_308 = tpu.memref_slice %arg2[%add3A_282] : memref<204800xi32, #tpu.memory_space<hbm>> -> memref<32xi32, #tpu.memory_space<hbm>>
          tpu.wait_dma2 semaphore(%run_scoped3A : memref<!tpu.dma_semaphore, #tpu.memory_space<semaphore_mem>>) src(%dma_wait3A_308 : memref<32xi32, #tpu.memory_space<hbm>>) dst(%arg11 : memref<32xi32, #tpu.memory_space<vmem>>)
          tpu.yield
        }) : () -> ()
        "tpu.region"() ({
          %run_scoped3A = tpu.sem_alloc : memref<!tpu.dma_semaphore, #tpu.memory_space<semaphore_mem>>
          %dma_start3A_305 = tpu.memref_slice %arg3[%add3A_282] : memref<204800xi32, #tpu.memory_space<hbm>> -> memref<32xi32, #tpu.memory_space<hbm>>
          %dma_start3A_306 = tpu.memref_slice %arg3[%add3A_282] : memref<204800xi32, #tpu.memory_space<hbm>> -> memref<32xi32, #tpu.memory_space<hbm>>
          tpu.enqueue_dma source(%dma_start3A_306 : memref<32xi32, #tpu.memory_space<hbm>>) target(%arg13 : memref<32xi32, #tpu.memory_space<vmem>>) target_semaphore(%run_scoped3A : memref<!tpu.dma_semaphore, #tpu.memory_space<semaphore_mem>>)
          %dma_wait3A_307 = tpu.memref_slice %arg3[%add3A_282] : memref<204800xi32, #tpu.memory_space<hbm>> -> memref<32xi32, #tpu.memory_space<hbm>>
          %dma_wait3A_308 = tpu.memref_slice %arg3[%add3A_282] : memref<204800xi32, #tpu.memory_space<hbm>> -> memref<32xi32, #tpu.memory_space<hbm>>
          tpu.wait_dma2 semaphore(%run_scoped3A : memref<!tpu.dma_semaphore, #tpu.memory_space<semaphore_mem>>) src(%dma_wait3A_308 : memref<32xi32, #tpu.memory_space<hbm>>) dst(%arg13 : memref<32xi32, #tpu.memory_space<vmem>>)
          tpu.yield
        }) : () -> ()
        %get3A_283 = arith.constant 0 : index
        %get3A_284 = tpu.vector_load %arg13[%get3A_283] {strides = array<i32>} : memref<32xi32, #tpu.memory_space<vmem>>, vector<16xi32>,
        %get3A_285 = arith.constant 0 : index
        %get3A_286 = tpu.vector_load %arg11[%get3A_285] {strides = array<i32>} : memref<32xi32, #tpu.memory_space<vmem>>, vector<16xi32>,
        %mul3A_287 = arith.constant 1024 : i32
        %mul3A_288 = vector.broadcast %mul3A_287 : i32 to vector<16xi32>
        %mul3A_289 = arith.muli %get3A_286, %mul3A_288 : vector<16xi32>
        %add3A_290 = arith.addi %get3A_284, %mul3A_289 : vector<16xi32>
        %swap3A_291 = arith.constant 0 : index
        %swap3A_292 = tpu.vector_load %arg13[%swap3A_291] {strides = array<i32>} : memref<32xi32, #tpu.memory_space<vmem>>, vector<16xi32>,
        tpu.vector_store %arg13[%swap3A_291], %add3A_290 {strides = array<i32>} : memref<32xi32, #tpu.memory_space<vmem>>, vector<16xi32>,
        %get3A_293 = arith.constant 16 : index
        %get3A_294 = tpu.vector_load %arg13[%get3A_293] {strides = array<i32>} : memref<32xi32, #tpu.memory_space<vmem>>, vector<16xi32>,
        %get3A_295 = arith.constant 16 : index
        %get3A_296 = tpu.vector_load %arg11[%get3A_295] {strides = array<i32>} : memref<32xi32, #tpu.memory_space<vmem>>, vector<16xi32>,
        %mul3A_297 = arith.constant 1024 : i32
        %mul3A_298 = vector.broadcast %mul3A_297 : i32 to vector<16xi32>
        %mul3A_299 = arith.muli %get3A_296, %mul3A_298 : vector<16xi32>
        %add3A_300 = arith.addi %get3A_294, %mul3A_299 : vector<16xi32>
        %swap3A_301 = arith.constant 16 : index
        %swap3A_302 = tpu.vector_load %arg13[%swap3A_301] {strides = array<i32>} : memref<32xi32, #tpu.memory_space<vmem>>, vector<16xi32>,
        tpu.vector_store %arg13[%swap3A_301], %add3A_300 {strides = array<i32>} : memref<32xi32, #tpu.memory_space<vmem>>, vector<16xi32>,
        %dma_start3A_303 = arith.constant 0 : i32
        %dma_start3A_304 = tpu.memref_slice %arg5[%dma_start3A_303] : memref<1024000xf32, #tpu.memory_space<hbm>> -> memref<1024000xf32, #tpu.memory_space<hbm>>
        tpu.enqueue_indirect_dma source(%dma_start3A_304 : memref<1024000xf32, #tpu.memory_space<hbm>>) target(%arg15 : memref<32xf32, #tpu.memory_space<vmem>>) offsets(%arg13 : memref<32xi32, #tpu.memory_space<vmem>>) semaphore(%arg24 : memref<!tpu.dma_semaphore, #tpu.memory_space<semaphore_mem>>)
      } else {
      }
    }
    %scan3A_160 = arith.constant 99 : i32
    %dma_wait3A_161 = arith.constant 0 : i32
    %dma_wait3A_162 = tpu.memref_slice %arg7[%mul3A_2, %dma_wait3A_161] : memref<204800x1024xf32, #tpu.memory_space<hbm>> -> memref<32x1024xf32, #tpu.memory_space<hbm>>
    %dma_wait3A_163 = arith.constant 0 : i32
    %dma_wait3A_164 = tpu.memref_slice %arg7[%mul3A_2, %dma_wait3A_163] : memref<204800x1024xf32, #tpu.memory_space<hbm>> -> memref<32x1024xf32, #tpu.memory_space<hbm>>
    tpu.wait_dma2 semaphore(%arg22 : memref<!tpu.dma_semaphore, #tpu.memory_space<semaphore_mem>>) src(%arg17 : memref<32x1024xf32, #tpu.memory_space<vmem>>) dst(%dma_wait3A_164 : memref<32x1024xf32, #tpu.memory_space<hbm>>)
    %mul3A_165 = arith.constant 16 : i32
    %mul3A_166 = arith.muli %add3A, %mul3A_165 : i32
    "tpu.region"() ({
      %run_scoped3A = tpu.sem_alloc : memref<!tpu.dma_semaphore, #tpu.memory_space<semaphore_mem>>
      %dma_start3A_167 = tpu.memref_slice %arg8[%mul3A_166] : memref<512xf32, #tpu.memory_space<hbm>> -> memref<16xf32, #tpu.memory_space<hbm>>
      %dma_start3A_168 = tpu.memref_slice %arg8[%mul3A_166] : memref<512xf32, #tpu.memory_space<hbm>> -> memref<16xf32, #tpu.memory_space<hbm>>
      tpu.enqueue_dma source(%arg18 : memref<16xf32, #tpu.memory_space<vmem>>) target(%dma_start3A_168 : memref<16xf32, #tpu.memory_space<hbm>>) target_semaphore(%run_scoped3A : memref<!tpu.dma_semaphore, #tpu.memory_space<semaphore_mem>>)
      %dma_wait3A_169 = tpu.memref_slice %arg8[%mul3A_166] : memref<512xf32, #tpu.memory_space<hbm>> -> memref<16xf32, #tpu.memory_space<hbm>>
      %dma_wait3A_170 = tpu.memref_slice %arg8[%mul3A_166] : memref<512xf32, #tpu.memory_space<hbm>> -> memref<16xf32, #tpu.memory_space<hbm>>
      tpu.wait_dma2 semaphore(%run_scoped3A : memref<!tpu.dma_semaphore, #tpu.memory_space<semaphore_mem>>) src(%arg18 : memref<16xf32, #tpu.memory_space<vmem>>) dst(%dma_wait3A_170 : memref<16xf32, #tpu.memory_space<hbm>>)
      tpu.yield
    }) : () -> ()
    return
  }
}

module attributes {stable_mosaic.version = 14 : i64} {
  func.func @_lse_body(%arg0: memref<1000x1000xf32, #tpu.memory_space<vmem>>, %arg1: memref<1000x1xf32, #tpu.memory_space<vmem>>) attributes {dimension_semantics = [], scalar_prefetch = 0 : i64, scratch_operands = 0 : i64, tpu.core_type = #tpu.core_type<tc>} {
    %get3A = arith.constant 0 : index
    %get3A_0 = arith.constant 0 : index
    %get3A_1 = vector.load %arg0[%get3A, %get3A_0] : memref<1000x1000xf32, #tpu.memory_space<vmem>>, vector<1000x1000xf32>
    %reduce_max3A = arith.constant dense<0xFF800000> : vector<1000xf32>
    %reduce_max3A_2 = vector.multi_reduction <maximumf>, %get3A_1, %reduce_max3A [1] : vector<1000x1000xf32> to vector<1000xf32>
    %broadcast_in_dim3A = vector.shape_cast %reduce_max3A_2 : vector<1000xf32> to vector<1000x1xf32>
    %sub3A = vector.broadcast %broadcast_in_dim3A : vector<1000x1xf32> to vector<1000x1000xf32>
    %sub3A_3 = arith.subf %get3A_1, %sub3A : vector<1000x1000xf32>
    %exp3A = math.exp %sub3A_3 : vector<1000x1000xf32>
    %reduce_sum3A = arith.constant dense<0.000000e+00> : vector<1000xf32>
    %reduce_sum3A_4 = vector.multi_reduction <add>, %exp3A, %reduce_sum3A [1] : vector<1000x1000xf32> to vector<1000xf32>
    %broadcast_in_dim3A_5 = vector.shape_cast %reduce_sum3A_4 : vector<1000xf32> to vector<1000x1xf32>
    %log3A = math.log %broadcast_in_dim3A_5 : vector<1000x1xf32>
    %add3A = arith.addf %log3A, %broadcast_in_dim3A : vector<1000x1xf32>
    %swap3A = arith.constant 0 : index
    %swap3A_6 = arith.constant 0 : index
    %swap3A_7 = vector.load %arg1[%swap3A, %swap3A_6] : memref<1000x1xf32, #tpu.memory_space<vmem>>, vector<1000x1xf32>
    tpu.vector_store %arg1[%swap3A, %swap3A_6], %add3A {strides = array<i32>} : memref<1000x1xf32, #tpu.memory_space<vmem>>, vector<1000x1xf32>,
    return
  }
}

</mosaic_0001>

<sc_bundles>
// kernel: kernel.4.cloned.1.call-start
scs
__scs_entry_jumppad:
0x0: {  	(pc) =	sbr.rel $0x88, $3  }
0x1: {  	(tag) =	ssettag $0x0;
	lr =	simm.s32 $0x1  }
0x2: {  	[smem:$0x3F9E] =	sst lr;
	_ =	strace $0xD0000000  }
0x3: {  	_ = 	snop  }
0x4: {  	_ = 	snop  }
0x5: {  	_ = 	snop  }
0x6: {  	_ = 	snop  }
0x7: {  	_ = 	snop  }
__scs_overlays_trampoline_lowered:
0x8: {  	[smem:$0x3FAD] =	sst s0  }
0x9: {  	[smem:$0x3FAE] =	sst s1  }
0xa: {  	[smem:$0x3FAF] =	sst s2  }
0xb: {  	[smem:$0x3FB0] =	sst s3  }
0xc: {  	[smem:$0x3FB1] =	sst s4  }
0xd: {  	[smem:$0x3FB2] =	sst s5  }
0xe: {  	[smem:$0x3FB3] =	sst s6  }
0xf: {  	[smem:$0x3FB4] =	sst s7  }
0x10: {  	[smem:$0x3FB5] =	sst s8  }
0x11: {  	[smem:$0x3FB6] =	sst s9;
	s0 =	simm.s32 @!p0 $0x0  }
0x12: {  	s1 =	sld [smem:$0x3F9C];
	s0 =	simm.s32 @p0 $0x1  }
0x13: {  	[smem:$0x3FB7] =	sst s0;
	s0 =	simm.s32 @!p1 $0x0  }
0x14: {  	s2 =	sld [smem:$0x3F9B];
	s0 =	simm.s32 @p1 $0x1  }
0x15: {  	[smem:$0x3FB8] =	sst s0;
	s0 =	simm.s32 @!p2 $0x0  }
0x16: {  	s3 =	sld [smem:$0x3FDB];
	s0 =	simm.s32 @p2 $0x1  }
0x17: {  	s4 =	simm.s32 $0x1BF5;
	[smem:$0x3FBA] =	sst s0  }
0x18: {  	s0 =	sld [smem:$0x3F9D];
	_ =	swait.ge [sflag:s4], $0x0  }
0x19: {  	s7 =	sld [smem:$0x3F9E]  }
0x1a: {  	s8 =	sadd.s32 $0xFFFFE003, lr  }
0x1b: {  	s9 =	sadd.s32 $0xFFFFFEF7, lr;
	s5 =	simm.s32 $0xFFFFFFFF;
	p2 =	slt.u32 s8, $0xFFFFF086  }
0x1c: {  	p1 =	slt.u32 s9, $0xF7A;
	s5 =	simm.s32 @!p2 $0x0  }
0x1d: {  	s5 =	simm.s32 @p1 $0x1;
	p0 =	seq.s32 s7, s2  }
0x1e: {  	s7 =	smul.u32 @!p0 $0xF7A, s2;
	p2 =	seq.s32 @!p0 s5, $0x0  }
0x1f: {  	s9 =	smul.u32 $0xF7A, s1;
	s8 =	simm.s32 @!p0 $0x1BF5;
	p2 =	por !p2, p0  }
0x20: {  	[sflag:s8] =	ssyncset.s32 @!p0 $0xFFFFF086;
	s6 =	sadd.s32 @!p0 s3, s7;
	s7 =	simm.s32 @!p0 $0x108  }
0x21: {  	s3 =	sadd.s32 s3, s9;
	s6 =	sadd.s32 @!p0 $0x88, s6;
	s7 =	simm.s32 @p2 $0x1082  }
0x22: {  	[simem:s7], [sflag:s8] =	dma.local @!p0 [hbm:s6], $0xF7A  }
0x23: {  	s9 =	sor.u32 $0xD0000000, s2;
	s6 =	simm.s32 $0x108;
	_ =	swait.ge @!p0 [sflag:s8], $0x0  }
0x24: {  	s3 =	sadd.s32 $0x88, s3;
	s6 =	simm.s32 @!p1 $0x1082;
	[sflag:s4] =	ssyncset.s32 $0xFFFFF086  }
0x25: {  	[simem:s6], [sflag:s4] =	dma.local [hbm:s3], $0xF7A  }
0x26: {  	[smem:$0x3F9E] =	sst s1;
	(tag) =	ssettag s2;
	_ =	strace s9  }
0x27: {  	s1 =	sld [smem:$0x3FAE]  }
0x28: {  	s2 =	sld [smem:$0x3FAF]  }
0x29: {  	s4 =	sld [smem:$0x3FB1]  }
0x2a: {  	p0 =	seq.s32 s5, $0x0;
	s5 =	sld [smem:$0x3FB2]  }
0x2b: {  	s6 =	sld [smem:$0x3FB3]  }
0x2c: {  	s7 =	sld [smem:$0x3FB4]  }
0x2d: {  	s3 =	simm.s32 $0x108;
	s8 =	sld [smem:$0x3FB5]  }
0x2e: {  	s3 =	simm.s32 @!p0 $0x1082;
	s9 =	sld [smem:$0x3FB6]  }
0x2f: {  	lr =	sadd.s32 s0, s3;
	s0 =	sld [smem:$0x3FAD]  }
0x30: {  	s3 =	sld [smem:$0x3FB0]  }
0x31: {  	[smem:$0x3FB9] =	sst s10  }
0x32: {  	s10 =	sld [smem:$0x3FB7];
	_ =	sdelay $0x3  }
0x33: {  	p0 =	seq.s32 s10, $0x1;
	s10 =	sld [smem:$0x3FB9];
	_ =	sdelay $0x3  }
0x34: {  	[smem:$0x3FB9] =	sst s10  }
0x35: {  	s10 =	sld [smem:$0x3FB8];
	_ =	sdelay $0x3  }
0x36: {  	p1 =	seq.s32 s10, $0x1;
	s10 =	sld [smem:$0x3FB9];
	_ =	sdelay $0x3  }
0x37: {  	[smem:$0x3FB9] =	sst s10  }
0x38: {  	s10 =	sld [smem:$0x3FBA]  }
0x39: {  	_ = 	snop;
	(pc) =	sbr.ind lr, $3  }
0x3a: {  	_ = 	snop  }
0x3b: {  	_ = 	snop  }
0x3c: {  	p2 =	seq.s32 s10, $0x1;
	s10 =	sld [smem:$0x3FB9]  }
0x3d: {  	_ =	shalt  }
0x3e: {  	_ =	shalt  }
0x3f: {  	_ =	shalt  }
0x40: {  	_ =	shalt  }
0x41: {  	_ =	shalt  }
0x42: {  	_ =	shalt  }
0x43: {  	_ =	shalt  }
0x44: {  	_ =	shalt  }
0x45: {  	_ =	shalt  }
0x46: {  	_ =	shalt  }
0x47: {  	_ =	shalt  }
0x48: {  	_ =	shalt  }
0x49: {  	_ =	shalt  }
0x4a: {  	_ =	shalt  }
0x4b: {  	_ =	shalt  }
0x4c: {  	_ =	shalt  }
0x4d: {  	_ =	shalt  }
0x4e: {  	_ =	shalt  }
0x4f: {  	_ =	shalt  }
0x50: {  	_ =	shalt  }
0x51: {  	_ =	shalt  }
0x52: {  	_ =	shalt  }
0x53: {  	_ =	shalt  }
0x54: {  	_ =	shalt  }
0x55: {  	_ =	shalt  }
0x56: {  	_ =	shalt  }
0x57: {  	_ =	shalt  }
0x58: {  	_ =	shalt  }
0x59: {  	_ =	shalt  }
0x5a: {  	_ =	shalt  }
0x5b: {  	_ =	shalt  }
0x5c: {  	_ =	shalt  }
0x5d: {  	_ =	shalt  }
0x5e: {  	_ =	shalt  }
0x5f: {  	_ =	shalt  }
0x60: {  	_ =	shalt  }
0x61: {  	_ =	shalt  }
0x62: {  	_ =	shalt  }
0x63: {  	_ =	shalt  }
0x64: {  	_ =	shalt  }
0x65: {  	_ =	shalt  }
0x66: {  	_ =	shalt  }
0x67: {  	_ =	shalt  }
0x68: {  	_ =	shalt  }
0x69: {  	_ =	shalt  }
0x6a: {  	_ =	shalt  }
0x6b: {  	_ =	shalt  }
0x6c: {  	_ =	shalt  }
0x6d: {  	_ =	shalt  }
0x6e: {  	_ =	shalt  }
0x6f: {  	_ =	shalt  }
0x70: {  	_ =	shalt  }
0x71: {  	_ =	shalt  }
0x72: {  	_ =	shalt  }
0x73: {  	_ =	shalt  }
0x74: {  	_ =	shalt  }
0x75: {  	_ =	shalt  }
0x76: {  	_ =	shalt  }
0x77: {  	_ =	shalt  }
0x78: {  	_ =	shalt  }
0x79: {  	_ =	shalt  }
0x7a: {  	_ =	shalt  }
0x7b: {  	_ =	shalt  }
0x7c: {  	_ =	shalt  }
0x7d: {  	_ =	shalt  }
0x7e: {  	_ =	shalt  }
0x7f: {  	_ =	shalt  }
0x80: {  	_ =	shalt  }
0x81: {  	_ =	shalt  }
0x82: {  	_ =	shalt  }
0x83: {  	_ =	shalt  }
0x84: {  	_ =	shalt  }
0x85: {  	_ =	shalt  }
0x86: {  	_ =	shalt  }
0x87: {  	_ =	shalt  }
.Lfunc_end0:
.L_simem_size_0:
called_computation.1_lowered:
.L_overlay_start_0:
0x88: {  	s2 =	sld [smem:$0x3FD9]  }
0x89: {  	s3 =	sld [smem:$0x3FFE];
	_ =	sdelay $0x1  }
0x8a: {  	s1 =	srdreg.scid  }
0x8b: {  	s0 =	sand.u32 $0x1, s1  }
0x8c: {  	s14 =	sshll.u32 s0, $0xA;
	s2 =	sadd.s32 s3, s2  }
0x8d: {  	s2 =	sadd.s32 s2, s14  }
0x8e: {  	[smem:$0x3FC5] =	sst s2  }
0x8f: {  	_ = 	snop  }
0x90: {  	s2 =	sld [smem:$0x3FD0];
	_ =	sdelay $0x2  }
0x91: {  	s15 =	simm.s32 $0xA;
	s4 =	simm.s32 $0x10  }
0x92: {  	[smem:s4], [sflag:s15] =	dma.local [hbm:s2], $0x1  }
0x93: {  	_ =	swait.eq [sflag:s15], $0x1  }
0x94: {  	[sflag:s15] =	ssyncset.done $0x0  }
0x95: {  	[sflag:s15] =	ssyncadd.s32 $0xFFFFFFFF  }
0x96: {  	s16 =	sld [smem:$0x10];
	(tm) =	ssettm $0x1  }
0x97: {  	s17 =	sld [smem:$0x3FFB];
	_ =	sdelay $0x3  }
0x98: {  	_ =	strace s17  }
0x99: {  	s3 =	sld [smem:$0x3FFC];
	_ =	sdelay $0x3  }
0x9a: {  	_ =	strace s3  }
0x9b: {  	s3 =	sld [smem:$0x3FFD];
	_ =	sdelay $0x3  }
0x9c: {  	_ =	strace s3  }
0x9d: {  	_ =	strace $0x8FFFFFFF  }
0x9e: {  	s18 =	sld [smem:$0x3FDB];
	_ =	sdelay $0x1  }
0x9f: {  	s19 =	simm.s32 $_scs_section_size  }
0xa0: {  	s5 =	simm.s32 $_size__tile_overlayer_lowered;
	s6 =	simm.s32 $_tile_overlayer_lowered  }
0xa1: {  	s22 =	simm.s32 $0x1BFF;
	s21 =	sshll.u32 s6, $0x1;
	s3 =	sadd.s32 s19, s18  }
0xa2: {  	s7 =	simm.s32 $0x0;
	s20 =	sshll.u32 s5, $0x1;
	s5 =	sadd.s32 s21, s3  }
0xa3: {  	[timem:s7], [sflag:s22] =	dma.local [hbm:s5], s20  }
0xa4: {  	_ =	swait.ge [sflag:s22], s20  }
0xa5: {  	s4 =	ssub.s32 $0x0, s20;
	[sflag:s22] =	ssyncset.done $0x0  }
0xa6: {  	[sflag:s22] =	ssyncadd.s32 s4;
	_ =	sdelay $0x1  }
0xa7: {  	s23 =	simm.s32 $0x1B8B  }
0xa8: {  	_ =	swait.ge [sflag:s23], $0x1  }
0xa9: {  	[sflag:s23] =	ssyncset.done $0x0  }
0xaa: {  	s25 =	simm.s32 $0x1B8E;
	s24 =	sld [smem:$0x3FFE];
	[sflag:s23] =	ssyncadd.s32 $0xFFFFFFFF  }
0xab: {  	s26 =	simm.s32 $execute0_lowered;
	[smem:$0x3FD2] =	sst s25  }
0xac: {  	s5 =	sshll.u32 s26, $0x1;
	_ =	strace $0x80000046;
	[dreg:$0x1] =	wrdreg $0xFFFFFFFF  }
0xad: {  	s28 =	simm.s32 $_size_execute0_lowered;
	s3 =	sadd.s32 s3, s5;
	[dreg:$0x0] =	wrdreg $0x0  }
0xae: {  	s5 =	sshll.u32 s28, $0x1;
	[dreg:$0x2] =	wrdreg s3  }
0xaf: {  	[dreg:$0x3] =	wrdreg s5  }
0xb0: {  	[dreg:$0x4] =	wrdreg $0xC0  }
0xb1: {  	_ =	task [dreg:s7], $0x5FFFF  }
0xb2: {  	[dreg:$0x1] =	wrdreg $0xFFFFFFFF  }
0xb3: {  	[dreg:$0x0] =	wrdreg $0x60  }
0xb4: {  	[dreg:$0x2] =	wrdreg s24  }
0xb5: {  	[dreg:$0x3] =	wrdreg s16  }
0xb6: {  	[dreg:$0x4] =	wrdreg $0x9  }
0xb7: {  	_ =	task.clear_ibuf [dreg:s7], $0x5FFFF;
	_ =	strace $0x90000046  }
0xb8: {  	s29 =	simm.s32 $0x9;
	_ =	strace $0x80000048  }
0xb9: {  	_ =	swait.ge [sflag:s29], $0x1  }
0xba: {  	[sflag:s29] =	ssyncadd.s32 $0xFFFFFFFF  }
0xbb: {  	_ =	strace $0x90000048  }
0xbc: {  	_ =	sfence  }
0xbd: {  	s30 =	sld [smem:$0x0];
	_ =	sdelay $0x2  }
0xbe: {  	s31 =	sshll.u32 s1, $0xD;
	s1 =	sshrl.u32 s1, $0x2  }
0xbf: {  	s3 =	sand.u32 $0x4000, s31;
	s1 =	sadd.s32 s1, s30  }
0xc0: {  	s0 =	sor.u32 s3, s0;
	s1 =	sshll.u32 s1, $0x11  }
0xc1: {  	s0 =	sor.u32 s1, s0  }
0xc2: {  	s0 =	sadd.s32 $0x8F2B, s0  }
0xc3: {  	[sflag:s0] =	ssyncadd.remote.s32 $0x1  }
0xc4: {  	_ =	sfence.sel $0xFFFF  }
0xc5: {  	[dreg:$0x0] =	wrdreg $0xFFFFFFFF;
	(pc) =	sbr.abs _section_cstart, $3  }
0xc6: {  	[dreg:$0x1] =	wrdreg $0xFFFFFFFF  }
0xc7: {  	_ =	task.clear_ibuf [dreg:s7], $0x2FFFF;
	_ =	strace $0x9FFFFFFF  }
0xc8: {  	(tm) =	ssettm $0x7FFFFFFF  }
0xc9: {  	_ =	shalt  }
tec
execute0_lowered:
.L_overlay_start_1:
0x0: {  	(tag) =	ssettag $0x1  }
0x1: {  	s0 =	rddreg [dreg:$0x0]  }
0x2: {  	s1 =	rddreg [dreg:$0x1];
	s3 =	simm.s32 $0x0;
	s2 =	srdreg.scid  }
0x3: {  	s15 =	stileid.u32;
	s28 =	simm.s32 $0x7;
	s30 =	simm.s32 $0x500  }
0x4: {  	s31 =	simm.s32 $0x20;
	s29 =	simm.s32 $0xDF00;
	[smem:$0x7FF] =	sst s3  }
0x5: {  	s2 =	sand.u32 $0x1, s2;
	s4 =	sshll.u32 s15, $0x1;
	s5 =	sadd.s32 $0xC00, s0  }
0x6: {  	s6 =	sadd.s32 $0x7000, s0;
	s8 =	sadd.s32 $0x2C800, s0;
	s25 =	smul.u32 $0xC80000, s15  }
0x7: {  	s9 =	sadd.s32 $0x2CC00, s0;
	s17 =	smul.u32 $0x3200, s15;
	_ =	strace $0x80000047  }
0x8: {  	s7 =	sor.u32 s2, s4;
	s4 =	sadd.s32 $0xD400, s0;
	s26 =	smul.u32 $0x640000, s2  }
0x9: {  	[dreg:$0x3] =	wrdreg s8;
	s11 =	ssub.s32 $0x2, s2;
	s2 =	smul.u32 $0x1900, s2  }
0xa: {  	s19 =	smul.u32 $0x1900, s7;
	s10 =	sshll.u32 s7, $0x1;
	s20 =	sshrl.u32 s11, $0x1  }
0xb: {  	s7 =	smul.u32 $0xC8000, s7;
	s0 =	sadd.s32 s10, s0;
	s11 =	ssub.s32 s11, s20  }
0xc: {  	s2 =	sadd.s32 s2, s17;
	s12 =	sshrl.u32 s19, $0x3;
	s8 =	sor.u32 $0x20, s19  }
0xd: {  	s7 =	sadd.s32 s9, s7;
	s19 =	sadd.s32 s26, s25;
	s0 =	sadd.s32 $0x2CA00, s0  }
0xe: {  	s26 =	smax.u32 s11, $0x1;
	s11 =	simm.s32 $0x3;
	[dreg:$0x8] =	wrdreg s7  }
0xf: {  	s21 =	sadd.s32 s5, s12;
	s22 =	sadd.s32 s6, s12;
	[dreg:$0x12] =	wrdreg s0  }
0x10: {  	s23 =	sshrl.u32 s8, $0x3;
	s24 =	sor.u32 $0x8, s12;
	[dreg:$0x13] =	wrdreg s26  }
0x11: {  	s8 =	sshll.u32 s8, $0x7;
	s18 =	sor.u32 $0xC, s12;
	[dreg:$0x4] =	wrdreg s21  }
0x12: {  	s12 =	sor.u32 $0x10000, s19;
	[dreg:$0x5] =	wrdreg s22;
	s13 =	sadd.s32 s5, s23  }
0x13: {  	s26 =	sadd.s32 $0x300, s1;
	s10 =	sadd.s32 s6, s23;
	[dreg:$0x6] =	wrdreg s13  }
0x14: {  	s0 =	simm.s32 $0xE700;
	s14 =	sadd.s32 s5, s24;
	[dreg:$0x7] =	wrdreg s10  }
0x15: {  	s7 =	sadd.s32 s6, s24;
	s16 =	sadd.s32 s9, s8;
	[dreg:$0x9] =	wrdreg s14  }
0x16: {  	s20 =	sadd.s32 s5, s18;
	s8 =	sadd.s32 s6, s18;
	[dreg:$0xa] =	wrdreg s7  }
0x17: {  	s21 =	sor.u32 $0x18000, s19;
	s23 =	sshrl.u32 s12, $0x3;
	[dreg:$0xb] =	wrdreg s16  }
0x18: {  	s24 =	sor.u32 $0xA0, s2;
	s2 =	sor.u32 $0x80, s2;
	[dreg:$0xc] =	wrdreg s20  }
0x19: {  	s12 =	simm.s32 $0x2;
	s10 =	sadd.s32 $0x100, s1;
	[dreg:$0xd] =	wrdreg s8  }
0x1a: {  	s8 =	sshrl.u32 s21, $0x3;
	s7 =	sadd.s32 s23, s9;
	s25 =	sshrl.u32 s24, $0x3  }
0x1b: {  	s2 =	sshrl.u32 s2, $0x3;
	s23 =	sadd.s32 $0x200, s1;
	s24 =	simm.s32 $0x480  }
0x1c: {  	s21 =	simm.s32 $0xF700;
	s13 =	simm.s32 $0x6;
	s14 =	simm.s32 $0x4  }
0x1d: {  	s16 =	simm.s32 $0x0;
	s22 =	sadd.s32 s8, s9;
	[dreg:$0xf] =	wrdreg s7  }
.Ltmp0:
0x1e: {  	s19 =	sadd.s32 s25, s6;
	s20 =	sadd.s32 s25, s5;
	(pc) =	sbr.rel .LBB2_1-.Ltmp0, $4  }
0x1f: {  	s6 =	sadd.s32 s2, s6;
	s2 =	sadd.s32 s2, s5;
	[dreg:$0xe] =	wrdreg s22  }
0x20: {  	v3 =	vlaneseq.u32;
	s5 =	simm.s32 $0x580;
	s7 =	simm.s32 $0x700;
	[dreg:$0x10] =	wrdreg s6  }
0x21: {  	v0 =	vimm.f32 $0.0e+00;
	vm0 =	vmmov $0xffff;
	v2 =	vshrl.u32 v3, $0x3;
	s9 =	simm.s32 $0x8700;
	s8 =	simm.s32 $0xEF00;
	[dreg:$0x11] =	wrdreg s2  }
0x22: {  	v1 =	vand.u32 $0x7, v3;
	v3 =	vor.u32 $0x8, v3;
	v2 =	vmul.u32 $0x8, v2;
	s22 =	simm.s32 $0xFF00;
	s2 =	simm.s32 $0x1;
	s6 =	simm.s32 $0x5  }
.LBB2_7:
0x23: {  	_ =	swait.ge [sflag:s14], $0x8000  }
0x24: {  	[sflag:s14] =	ssyncset.done $0x0  }
0x25: {  	s16 =	simm.s32 $0x10700;
	s15 =	rddreg [dreg:$0x12];
	[sflag:s14] =	ssyncadd.s32 $0xFFFF8000  }
0x26: {  	[hbm4b:s15+s3] =	stream.linear.scatter [tilespmem:s16], [sflag:$0x7], $0x10, $0x38;
	[tilespmem:$0x10780] =	vst v63  }
0x27: {  	_ =	swait.ge [sflag:s28], $0x10  }
0x28: {  	s18 =	rddreg [dreg:$0x14]  }
0x29: {  	s25 =	rddreg [dreg:$0x13];
	s16 =	sadd.s32 $0x1, s18  }
0x2a: {  	p0 =	sne.s32 s16, s25  }
.Ltmp1:
0x2b: {  	_ = 	snop;
	(pc) =	sbr.rel @!p0 .LBB2_8-.Ltmp1, $3  }
0x2c: {  	_ =	sdelay $0x1  }
0x2d: {  	[sflag:s28] =	ssyncset.done $0x0  }
0x2e: {  	[sflag:s28] =	ssyncadd.s32 $0xFFFFFFF0  }
.LBB2_1:
0x2f: {  	[dreg:$0x14] =	wrdreg s16  }
0x30: {  	s15 =	rddreg [dreg:$0x3]  }
0x31: {  	[tilespmem:s3], [sflag:$0x7] =	stream.linear.gather [hbm4b:s15+s3], $0x400, $0x38;
	[tilespmem:$0x10780] =	vst v63  }
0x32: {  	_ =	swait.ge [sflag:s28], $0x400  }
0x33: {  	[sflag:s28] =	ssyncset.done $0x0  }
0x34: {  	[sflag:s28] =	ssyncadd.s32 $0xFFFFFC00  }
0x35: {  	s25 =	simm.s32 $0x400;
	s18 =	rddreg [dreg:$0x4];
	[tilespmem:$0x10700] =	vst v0  }
0x36: {  	[tilespmem:s25], [sflag:$0x7] =	stream.linear.gather [hbm4b:s18+s3], $0x20, $0x38;
	[tilespmem:$0x10780] =	vst v63  }
0x37: {  	_ =	swait.ge [sflag:s28], $0x20  }
0x38: {  	[sflag:s28] =	ssyncset.done $0x0  }
0x39: {  	s17 =	rddreg [dreg:$0x5];
	[sflag:s28] =	ssyncadd.s32 $0xFFFFFFE0  }
0x3a: {  	[tilespmem:s30], [sflag:$0x7] =	stream.linear.gather [hbm4b:s17+s3], $0x20, $0x38;
	[tilespmem:$0x10780] =	vst v63  }
0x3b: {  	_ =	swait.ge [sflag:s28], $0x20  }
0x3c: {  	[sflag:s28] =	ssyncset.done $0x0  }
0x3d: {  	[sflag:s28] =	ssyncadd.s32 $0xFFFFFFE0  }
0x3e: {  	v4 =	vld [tilespmem:$0x500]  }
0x3f: {  	v5 =	vld [tilespmem:$0x400]  }
0x40: {  	v6 =	vld [tilespmem:$0x410]  }
0x41: {  	v7 =	vld [tilespmem:$0x510];
	_ =	sdelay $0x2  }
0x42: {  	v5 =	vshll.u32 v5, $0xA  }
0x43: {  	v4 =	vadd.s32 v4, v5;
	v5 =	vshll.u32 v6, $0xA  }
0x44: {  	[tilespmem:$0x500] =	vst v4;
	v4 =	vadd.s32 v7, v5  }
0x45: {  	s18 =	simm.s32 $0x600;
	[tilespmem:$0x510] =	vst v4  }
0x46: {  	[tilespmem:s18], [sflag:$0x5] =	stream.indirect.gather [hbm4b:s4+s31], $0x1, s30, s31, $0xb8;
	[tilespmem:$0x10780] =	vst v63  }
0x47: {  	s25 =	rddreg [dreg:$0x6]  }
0x48: {  	[tilespmem:s24], [sflag:$0x7] =	stream.linear.gather [hbm4b:s25+s3], $0x20, $0x38;
	[tilespmem:$0x10780] =	vst v63  }
0x49: {  	_ =	swait.ge [sflag:s28], $0x20  }
0x4a: {  	[sflag:s28] =	ssyncset.done $0x0  }
0x4b: {  	s16 =	rddreg [dreg:$0x7];
	[sflag:s28] =	ssyncadd.s32 $0xFFFFFFE0  }
0x4c: {  	[tilespmem:s5], [sflag:$0x7] =	stream.linear.gather [hbm4b:s16+s3], $0x20, $0x38;
	[tilespmem:$0x10780] =	vst v63  }
0x4d: {  	_ =	swait.ge [sflag:s28], $0x20  }
0x4e: {  	[sflag:s28] =	ssyncset.done $0x0  }
0x4f: {  	[sflag:s28] =	ssyncadd.s32 $0xFFFFFFE0  }
0x50: {  	v4 =	vld [tilespmem:$0x580]  }
0x51: {  	v5 =	vld [tilespmem:$0x480]  }
0x52: {  	v52 =	vld [tilespmem:$0x490]  }
0x53: {  	v53 =	vld [tilespmem:$0x590];
	_ =	sdelay $0x2  }
0x54: {  	v5 =	vshll.u32 v5, $0xA  }
0x55: {  	v4 =	vadd.s32 v4, v5;
	v5 =	vshll.u32 v52, $0xA  }
0x56: {  	[tilespmem:$0x580] =	vst v4;
	v4 =	vadd.s32 v53, v5  }
0x57: {  	s17 =	simm.s32 $0x680;
	[tilespmem:$0x590] =	vst v4  }
0x58: {  	[tilespmem:s17], [sflag:$0x6] =	stream.indirect.gather [hbm4b:s4+s31], $0x1, s5, s31, $0xb8;
	[tilespmem:$0x10780] =	vst v63  }
0x59: {  	v4 =	vld [tilespmem:$0x400];
	_ =	sdelay $0x4  }
0x5a: {  	v5 =	vshll.u32 v4, $0x3  }
0x5b: {  	v4 =	vand.u32 $0x7, v4;
	v5 =	vand.u32 $0xFFFFFFC0, v5  }
0x5c: {  	v4 =	vor.u32 v4, v5  }
0x5d: {  	v5 =	vperm.xlane v4, v1;
	_ =	sdelay $0x1  }
0x5e: {  	v5 =	vadd.s32 v2, v5;
	_ =	sdelay $0x4  }
0x5f: {  	[tilespmem:s7], [sflag:$0x1] =	stream.indirect_vreg.gather [hbm4b:s1+s3], $0x80, v5, vm0, $0xb8;
	[tilespmem:$0x10780] =	vst v63  }
0x60: {  	s25 =	simm.s32 $0xF00;
	v4 =	vperm.xlane v4, v3  }
0x61: {  	[tilespmem:s25], [sflag:$0x1] =	stream.indirect_vreg.gather [hbm4b:s10+s3], $0x80, v5, vm0, $0xb8;
	[tilespmem:$0x10780] =	vst v63  }
0x62: {  	s18 =	simm.s32 $0x1700;
	v4 =	vadd.s32 v2, v4  }
0x63: {  	[tilespmem:s18], [sflag:$0x1] =	stream.indirect_vreg.gather [hbm4b:s23+s3], $0x80, v5, vm0, $0xb8;
	[tilespmem:$0x10780] =	vst v63  }
0x64: {  	s17 =	simm.s32 $0x1F00  }
0x65: {  	[tilespmem:s17], [sflag:$0x1] =	stream.indirect_vreg.gather [hbm4b:s26+s3], $0x80, v5, vm0, $0xb8;
	[tilespmem:$0x10780] =	vst v63  }
0x66: {  	s18 =	simm.s32 $0x2700  }
0x67: {  	[tilespmem:s18], [sflag:$0x1] =	stream.indirect_vreg.gather [hbm4b:s1+s3], $0x80, v4, vm0, $0xb8;
	[tilespmem:$0x10780] =	vst v63  }
0x68: {  	s16 =	simm.s32 $0x2F00  }
0x69: {  	[tilespmem:s16], [sflag:$0x1] =	stream.indirect_vreg.gather [hbm4b:s10+s3], $0x80, v4, vm0, $0xb8;
	[tilespmem:$0x10780] =	vst v63  }
0x6a: {  	s16 =	simm.s32 $0x3700  }
0x6b: {  	[tilespmem:s16], [sflag:$0x1] =	stream.indirect_vreg.gather [hbm4b:s23+s3], $0x80, v4, vm0, $0xb8;
	[tilespmem:$0x10780] =	vst v63  }
0x6c: {  	s16 =	simm.s32 $0x3F00  }
0x6d: {  	[tilespmem:s16], [sflag:$0x1] =	stream.indirect_vreg.gather [hbm4b:s26+s3], $0x80, v4, vm0, $0xb8;
	[tilespmem:$0x10780] =	vst v63  }
0x6e: {  	v4 =	vld [tilespmem:$0x410];
	_ =	sdelay $0x4  }
0x6f: {  	v5 =	vshll.u32 v4, $0x3  }
0x70: {  	v4 =	vand.u32 $0x7, v4;
	v5 =	vand.u32 $0xFFFFFFC0, v5  }
0x71: {  	v4 =	vor.u32 v4, v5  }
0x72: {  	v5 =	vperm.xlane v4, v1;
	_ =	sdelay $0x1  }
0x73: {  	v5 =	vadd.s32 v2, v5;
	_ =	sdelay $0x3  }
0x74: {  	s16 =	simm.s32 $0x4700  }
0x75: {  	[tilespmem:s16], [sflag:$0x1] =	stream.indirect_vreg.gather [hbm4b:s1+s3], $0x80, v5, vm0, $0xb8;
	[tilespmem:$0x10780] =	vst v63  }
0x76: {  	v4 =	vperm.xlane v4, v3;
	s16 =	simm.s32 $0x4F00  }
0x77: {  	[tilespmem:s16], [sflag:$0x1] =	stream.indirect_vreg.gather [hbm4b:s10+s3], $0x80, v5, vm0, $0xb8;
	[tilespmem:$0x10780] =	vst v63  }
0x78: {  	v4 =	vadd.s32 v2, v4;
	s16 =	simm.s32 $0x5700  }
0x79: {  	[tilespmem:s16], [sflag:$0x1] =	stream.indirect_vreg.gather [hbm4b:s23+s3], $0x80, v5, vm0, $0xb8;
	[tilespmem:$0x10780] =	vst v63  }
0x7a: {  	s16 =	simm.s32 $0x5F00  }
0x7b: {  	[tilespmem:s16], [sflag:$0x1] =	stream.indirect_vreg.gather [hbm4b:s26+s3], $0x80, v5, vm0, $0xb8;
	[tilespmem:$0x10780] =	vst v63  }
0x7c: {  	s16 =	simm.s32 $0x6700  }
0x7d: {  	[tilespmem:s16], [sflag:$0x1] =	stream.indirect_vreg.gather [hbm4b:s1+s3], $0x80, v4, vm0, $0xb8;
	[tilespmem:$0x10780] =	vst v63  }
0x7e: {  	s16 =	simm.s32 $0x6F00  }
0x7f: {  	[tilespmem:s16], [sflag:$0x1] =	stream.indirect_vreg.gather [hbm4b:s10+s3], $0x80, v4, vm0, $0xb8;
	[tilespmem:$0x10780] =	vst v63  }
0x80: {  	s16 =	simm.s32 $0x7700  }
0x81: {  	[tilespmem:s16], [sflag:$0x1] =	stream.indirect_vreg.gather [hbm4b:s23+s3], $0x80, v4, vm0, $0xb8;
	[tilespmem:$0x10780] =	vst v63  }
0x82: {  	s16 =	simm.s32 $0x7F00  }
0x83: {  	[tilespmem:s16], [sflag:$0x1] =	stream.indirect_vreg.gather [hbm4b:s26+s3], $0x80, v4, vm0, $0xb8;
	[tilespmem:$0x10780] =	vst v63  }
0x84: {  	v4 =	vld [tilespmem:$0x480];
	_ =	sdelay $0x4  }
0x85: {  	v5 =	vshll.u32 v4, $0x3  }
0x86: {  	v4 =	vand.u32 $0x7, v4;
	v5 =	vand.u32 $0xFFFFFFC0, v5  }
0x87: {  	v4 =	vor.u32 v4, v5  }
0x88: {  	v5 =	vperm.xlane v4, v1;
	_ =	sdelay $0x1  }
0x89: {  	v5 =	vadd.s32 v2, v5;
	_ =	sdelay $0x4  }
0x8a: {  	[tilespmem:s9], [sflag:$0x2] =	stream.indirect_vreg.gather [hbm4b:s1+s3], $0x80, v5, vm0, $0xb8;
	[tilespmem:$0x10780] =	vst v63  }
0x8b: {  	s16 =	simm.s32 $0x8F00;
	v4 =	vperm.xlane v4, v3  }
0x8c: {  	[tilespmem:s16], [sflag:$0x2] =	stream.indirect_vreg.gather [hbm4b:s10+s3], $0x80, v5, vm0, $0xb8;
	[tilespmem:$0x10780] =	vst v63  }
0x8d: {  	v4 =	vadd.s32 v2, v4;
	s16 =	simm.s32 $0x9700  }
0x8e: {  	[tilespmem:s16], [sflag:$0x2] =	stream.indirect_vreg.gather [hbm4b:s23+s3], $0x80, v5, vm0, $0xb8;
	[tilespmem:$0x10780] =	vst v63  }
0x8f: {  	s16 =	simm.s32 $0x9F00  }
0x90: {  	[tilespmem:s16], [sflag:$0x2] =	stream.indirect_vreg.gather [hbm4b:s26+s3], $0x80, v5, vm0, $0xb8;
	[tilespmem:$0x10780] =	vst v63  }
0x91: {  	s16 =	simm.s32 $0xA700  }
0x92: {  	[tilespmem:s16], [sflag:$0x2] =	stream.indirect_vreg.gather [hbm4b:s1+s3], $0x80, v4, vm0, $0xb8;
	[tilespmem:$0x10780] =	vst v63  }
0x93: {  	s16 =	simm.s32 $0xAF00  }
0x94: {  	[tilespmem:s16], [sflag:$0x2] =	stream.indirect_vreg.gather [hbm4b:s10+s3], $0x80, v4, vm0, $0xb8;
	[tilespmem:$0x10780] =	vst v63  }
0x95: {  	s16 =	simm.s32 $0xB700  }
0x96: {  	[tilespmem:s16], [sflag:$0x2] =	stream.indirect_vreg.gather [hbm4b:s23+s3], $0x80, v4, vm0, $0xb8;
	[tilespmem:$0x10780] =	vst v63  }
0x97: {  	s16 =	simm.s32 $0xBF00  }
0x98: {  	[tilespmem:s16], [sflag:$0x2] =	stream.indirect_vreg.gather [hbm4b:s26+s3], $0x80, v4, vm0, $0xb8;
	[tilespmem:$0x10780] =	vst v63  }
0x99: {  	v4 =	vld [tilespmem:$0x490];
	_ =	sdelay $0x4  }
0x9a: {  	v5 =	vshll.u32 v4, $0x3  }
0x9b: {  	v4 =	vand.u32 $0x7, v4;
	v5 =	vand.u32 $0xFFFFFFC0, v5  }
0x9c: {  	v4 =	vor.u32 v4, v5  }
0x9d: {  	v5 =	vperm.xlane v4, v1;
	_ =	sdelay $0x1  }
0x9e: {  	v5 =	vadd.s32 v2, v5;
	_ =	sdelay $0x3  }
0x9f: {  	s16 =	simm.s32 $0xC700  }
0xa0: {  	[tilespmem:s16], [sflag:$0x2] =	stream.indirect_vreg.gather [hbm4b:s1+s3], $0x80, v5, vm0, $0xb8;
	[tilespmem:$0x10780] =	vst v63  }
0xa1: {  	v4 =	vperm.xlane v4, v3;
	s16 =	simm.s32 $0xCF00  }
0xa2: {  	[tilespmem:s16], [sflag:$0x2] =	stream.indirect_vreg.gather [hbm4b:s10+s3], $0x80, v5, vm0, $0xb8;
	[tilespmem:$0x10780] =	vst v63  }
0xa3: {  	v4 =	vadd.s32 v2, v4;
	s16 =	simm.s32 $0xD700  }
0xa4: {  	[tilespmem:s16], [sflag:$0x2] =	stream.indirect_vreg.gather [hbm4b:s23+s3], $0x80, v5, vm0, $0xb8;
	[tilespmem:$0x10780] =	vst v63  }
0xa5: {  	_ = 	snop  }
0xa6: {  	[tilespmem:s29], [sflag:$0x2] =	stream.indirect_vreg.gather [hbm4b:s26+s3], $0x80, v5, vm0, $0xb8;
	[tilespmem:$0x10780] =	vst v63  }
0xa7: {  	_ = 	snop  }
0xa8: {  	[tilespmem:s0], [sflag:$0x2] =	stream.indirect_vreg.gather [hbm4b:s1+s3], $0x80, v4, vm0, $0xb8;
	[tilespmem:$0x10780] =	vst v63  }
0xa9: {  	_ = 	snop  }
0xaa: {  	[tilespmem:s8], [sflag:$0x2] =	stream.indirect_vreg.gather [hbm4b:s10+s3], $0x80, v4, vm0, $0xb8;
	[tilespmem:$0x10780] =	vst v63  }
0xab: {  	_ = 	snop  }
0xac: {  	[tilespmem:s21], [sflag:$0x2] =	stream.indirect_vreg.gather [hbm4b:s23+s3], $0x80, v4, vm0, $0xb8;
	[tilespmem:$0x10780] =	vst v63  }
0xad: {  	_ = 	snop  }
0xae: {  	[tilespmem:s22], [sflag:$0x2] =	stream.indirect_vreg.gather [hbm4b:s26+s3], $0x80, v4, vm0, $0xb8;
	[tilespmem:$0x10780] =	vst v63  }
0xaf: {  	_ =	swait.ge [sflag:s2], $0x8000  }
0xb0: {  	[sflag:s2] =	ssyncset.done $0x0  }
0xb1: {  	[sflag:s2] =	ssyncadd.s32 $0xFFFF8000  }
0xb2: {  	_ =	swait.ge [sflag:s6], $0x20  }
0xb3: {  	[sflag:s6] =	ssyncset.done $0x0  }
0xb4: {  	[sflag:s6] =	ssyncadd.s32 $0xFFFFFFE0  }
0xb5: {  	v4 =	vld [tilespmem:$0x400];
	_ =	sdelay $0x6  }
0xb6: {  	v5 =	vld [tilespmem:$0x600]  }
0xb7: {  	v4 =	vld.idx.msk [tilespmem:v4+s3+$0x0], $0xffff  }
0xb8: {  	v54 =	vld [tilespmem:$0x10700]  }
0xb9: {  	v55 =	vld [tilespmem:$0x410];
	_ =	sdelay $0x2  }
0xba: {  	v4 =	vsub.f32 v4, v5;
	_ =	sdelay $0x1  }
0xbb: {  	v4 =	vadd.f32 v4, v54;
	_ =	sdelay $0x1  }
0xbc: {  	v56 =	vld [tilespmem:$0x610];
	[tilespmem:$0x10700] =	vst v4  }
0xbd: {  	v5 =	vld.idx.msk [tilespmem:v55+s3+$0x0], $0xffff;
	_ =	sdelay $0x4  }
0xbe: {  	v5 =	vsub.f32 v5, v56;
	_ =	sdelay $0x1  }
0xbf: {  	v4 =	vadd.f32 v5, v4;
	_ =	sdelay $0x1  }
0xc0: {  	s16 =	rddreg [dreg:$0x8];
	[tilespmem:$0x10700] =	vst v4  }
0xc1: {  	[hbm4b:s16+s3] =	stream.linear.scatter [tilespmem:s7], [sflag:$0x3], $0x8000, $0x38;
	[tilespmem:$0x10780] =	vst v63  }
0xc2: {  	s15 =	rddreg [dreg:$0x9];
	s16 =	simm.s32 $0x400  }
0xc3: {  	[tilespmem:s16], [sflag:$0x7] =	stream.linear.gather [hbm4b:s15+s3], $0x20, $0x38;
	[tilespmem:$0x10780] =	vst v63  }
0xc4: {  	_ =	swait.ge [sflag:s28], $0x20  }
0xc5: {  	[sflag:s28] =	ssyncset.done $0x0  }
0xc6: {  	s16 =	rddreg [dreg:$0xa];
	[sflag:s28] =	ssyncadd.s32 $0xFFFFFFE0  }
0xc7: {  	[tilespmem:s30], [sflag:$0x7] =	stream.linear.gather [hbm4b:s16+s3], $0x20, $0x38;
	[tilespmem:$0x10780] =	vst v63  }
0xc8: {  	_ =	swait.ge [sflag:s28], $0x20  }
0xc9: {  	[sflag:s28] =	ssyncset.done $0x0  }
0xca: {  	[sflag:s28] =	ssyncadd.s32 $0xFFFFFFE0  }
0xcb: {  	v4 =	vld [tilespmem:$0x500]  }
0xcc: {  	v5 =	vld [tilespmem:$0x400]  }
0xcd: {  	v57 =	vld [tilespmem:$0x410]  }
0xce: {  	v58 =	vld [tilespmem:$0x510];
	_ =	sdelay $0x2  }
0xcf: {  	v5 =	vshll.u32 v5, $0xA  }
0xd0: {  	v4 =	vadd.s32 v4, v5;
	v5 =	vshll.u32 v57, $0xA  }
0xd1: {  	[tilespmem:$0x500] =	vst v4;
	v4 =	vadd.s32 v58, v5  }
0xd2: {  	s16 =	simm.s32 $0x600;
	[tilespmem:$0x510] =	vst v4  }
0xd3: {  	[tilespmem:s16], [sflag:$0x5] =	stream.indirect.gather [hbm4b:s4+s31], $0x1, s30, s31, $0xb8;
	[tilespmem:$0x10780] =	vst v63  }
0xd4: {  	_ =	swait.ge [sflag:s11], $0x8000  }
0xd5: {  	[sflag:s11] =	ssyncset.done $0x0  }
0xd6: {  	[sflag:s11] =	ssyncadd.s32 $0xFFFF8000  }
0xd7: {  	v4 =	vld [tilespmem:$0x400];
	_ =	sdelay $0x4  }
0xd8: {  	v5 =	vshll.u32 v4, $0x3  }
0xd9: {  	v4 =	vand.u32 $0x7, v4;
	v5 =	vand.u32 $0xFFFFFFC0, v5  }
0xda: {  	v4 =	vor.u32 v4, v5  }
0xdb: {  	v5 =	vperm.xlane v4, v1;
	_ =	sdelay $0x1  }
0xdc: {  	v5 =	vadd.s32 v2, v5;
	_ =	sdelay $0x4  }
0xdd: {  	[tilespmem:s7], [sflag:$0x1] =	stream.indirect_vreg.gather [hbm4b:s1+s3], $0x80, v5, vm0, $0xb8;
	[tilespmem:$0x10780] =	vst v63  }
0xde: {  	v4 =	vperm.xlane v4, v3  }
0xdf: {  	[tilespmem:s25], [sflag:$0x1] =	stream.indirect_vreg.gather [hbm4b:s10+s3], $0x80, v5, vm0, $0xb8;
	[tilespmem:$0x10780] =	vst v63  }
0xe0: {  	v4 =	vadd.s32 v2, v4;
	s25 =	simm.s32 $0x1700  }
0xe1: {  	[tilespmem:s25], [sflag:$0x1] =	stream.indirect_vreg.gather [hbm4b:s23+s3], $0x80, v5, vm0, $0xb8;
	[tilespmem:$0x10780] =	vst v63  }
0xe2: {  	_ = 	snop  }
0xe3: {  	[tilespmem:s17], [sflag:$0x1] =	stream.indirect_vreg.gather [hbm4b:s26+s3], $0x80, v5, vm0, $0xb8;
	[tilespmem:$0x10780] =	vst v63  }
0xe4: {  	_ = 	snop  }
0xe5: {  	[tilespmem:s18], [sflag:$0x1] =	stream.indirect_vreg.gather [hbm4b:s1+s3], $0x80, v4, vm0, $0xb8;
	[tilespmem:$0x10780] =	vst v63  }
0xe6: {  	s16 =	simm.s32 $0x2F00  }
0xe7: {  	[tilespmem:s16], [sflag:$0x1] =	stream.indirect_vreg.gather [hbm4b:s10+s3], $0x80, v4, vm0, $0xb8;
	[tilespmem:$0x10780] =	vst v63  }
0xe8: {  	s17 =	simm.s32 $0x3700  }
0xe9: {  	[tilespmem:s17], [sflag:$0x1] =	stream.indirect_vreg.gather [hbm4b:s23+s3], $0x80, v4, vm0, $0xb8;
	[tilespmem:$0x10780] =	vst v63  }
0xea: {  	s18 =	simm.s32 $0x3F00  }
0xeb: {  	[tilespmem:s18], [sflag:$0x1] =	stream.indirect_vreg.gather [hbm4b:s26+s3], $0x80, v4, vm0, $0xb8;
	[tilespmem:$0x10780] =	vst v63  }
0xec: {  	v4 =	vld [tilespmem:$0x410];
	_ =	sdelay $0x4  }
0xed: {  	v5 =	vshll.u32 v4, $0x3  }
0xee: {  	v4 =	vand.u32 $0x7, v4;
	v5 =	vand.u32 $0xFFFFFFC0, v5  }
0xef: {  	v4 =	vor.u32 v4, v5  }
0xf0: {  	v5 =	vperm.xlane v4, v1;
	_ =	sdelay $0x1  }
0xf1: {  	v5 =	vadd.s32 v2, v5;
	_ =	sdelay $0x3  }
0xf2: {  	s25 =	simm.s32 $0x4700  }
0xf3: {  	[tilespmem:s25], [sflag:$0x1] =	stream.indirect_vreg.gather [hbm4b:s1+s3], $0x80, v5, vm0, $0xb8;
	[tilespmem:$0x10780] =	vst v63  }
0xf4: {  	s16 =	simm.s32 $0x4F00;
	v4 =	vperm.xlane v4, v3  }
0xf5: {  	[tilespmem:s16], [sflag:$0x1] =	stream.indirect_vreg.gather [hbm4b:s10+s3], $0x80, v5, vm0, $0xb8;
	[tilespmem:$0x10780] =	vst v63  }
0xf6: {  	s17 =	simm.s32 $0x5700;
	v4 =	vadd.s32 v2, v4  }
0xf7: {  	[tilespmem:s17], [sflag:$0x1] =	stream.indirect_vreg.gather [hbm4b:s23+s3], $0x80, v5, vm0, $0xb8;
	[tilespmem:$0x10780] =	vst v63  }
0xf8: {  	s18 =	simm.s32 $0x5F00  }
0xf9: {  	[tilespmem:s18], [sflag:$0x1] =	stream.indirect_vreg.gather [hbm4b:s26+s3], $0x80, v5, vm0, $0xb8;
	[tilespmem:$0x10780] =	vst v63  }
0xfa: {  	s25 =	simm.s32 $0x6700  }
0xfb: {  	[tilespmem:s25], [sflag:$0x1] =	stream.indirect_vreg.gather [hbm4b:s1+s3], $0x80, v4, vm0, $0xb8;
	[tilespmem:$0x10780] =	vst v63  }
0xfc: {  	s16 =	simm.s32 $0x6F00  }
0xfd: {  	[tilespmem:s16], [sflag:$0x1] =	stream.indirect_vreg.gather [hbm4b:s10+s3], $0x80, v4, vm0, $0xb8;
	[tilespmem:$0x10780] =	vst v63  }
0xfe: {  	s17 =	simm.s32 $0x7700  }
0xff: {  	[tilespmem:s17], [sflag:$0x1] =	stream.indirect_vreg.gather [hbm4b:s23+s3], $0x80, v4, vm0, $0xb8;
	[tilespmem:$0x10780] =	vst v63  }
0x100: {  	s18 =	simm.s32 $0x7F00  }
0x101: {  	[tilespmem:s18], [sflag:$0x1] =	stream.indirect_vreg.gather [hbm4b:s26+s3], $0x80, v4, vm0, $0xb8;
	[tilespmem:$0x10780] =	vst v63  }
0x102: {  	_ =	swait.ge [sflag:s12], $0x8000  }
0x103: {  	[sflag:s12] =	ssyncset.done $0x0  }
0x104: {  	[sflag:s12] =	ssyncadd.s32 $0xFFFF8000  }
0x105: {  	_ =	swait.ge [sflag:s13], $0x20  }
0x106: {  	[sflag:s13] =	ssyncset.done $0x0  }
0x107: {  	[sflag:s13] =	ssyncadd.s32 $0xFFFFFFE0  }
0x108: {  	v4 =	vld [tilespmem:$0x480];
	_ =	sdelay $0x6  }
0x109: {  	v5 =	vld [tilespmem:$0x680]  }
0x10a: {  	v4 =	vld.idx.msk [tilespmem:v4+s3+$0x0], $0xffff  }
0x10b: {  	v59 =	vld [tilespmem:$0x10700]  }
0x10c: {  	v60 =	vld [tilespmem:$0x490];
	_ =	sdelay $0x2  }
0x10d: {  	v4 =	vsub.f32 v4, v5;
	_ =	sdelay $0x1  }
0x10e: {  	v4 =	vadd.f32 v4, v59;
	_ =	sdelay $0x1  }
0x10f: {  	v61 =	vld [tilespmem:$0x690];
	[tilespmem:$0x10700] =	vst v4  }
0x110: {  	v5 =	vld.idx.msk [tilespmem:v60+s3+$0x0], $0xffff;
	_ =	sdelay $0x4  }
0x111: {  	v5 =	vsub.f32 v5, v61;
	_ =	sdelay $0x1  }
0x112: {  	v4 =	vadd.f32 v5, v4;
	_ =	sdelay $0x1  }
0x113: {  	s25 =	rddreg [dreg:$0xb];
	[tilespmem:$0x10700] =	vst v4  }
0x114: {  	[hbm4b:s25+s3] =	stream.linear.scatter [tilespmem:s9], [sflag:$0x4], $0x8000, $0x38;
	[tilespmem:$0x10780] =	vst v63  }
0x115: {  	s16 =	rddreg [dreg:$0xc]  }
0x116: {  	[tilespmem:s24], [sflag:$0x7] =	stream.linear.gather [hbm4b:s16+s3], $0x20, $0x38;
	[tilespmem:$0x10780] =	vst v63  }
0x117: {  	_ =	swait.ge [sflag:s28], $0x20  }
0x118: {  	[sflag:s28] =	ssyncset.done $0x0  }
0x119: {  	s17 =	rddreg [dreg:$0xd];
	[sflag:s28] =	ssyncadd.s32 $0xFFFFFFE0  }
0x11a: {  	[tilespmem:s5], [sflag:$0x7] =	stream.linear.gather [hbm4b:s17+s3], $0x20, $0x38;
	[tilespmem:$0x10780] =	vst v63  }
0x11b: {  	_ =	swait.ge [sflag:s28], $0x20  }
0x11c: {  	[sflag:s28] =	ssyncset.done $0x0  }
0x11d: {  	[sflag:s28] =	ssyncadd.s32 $0xFFFFFFE0  }
0x11e: {  	v4 =	vld [tilespmem:$0x580]  }
0x11f: {  	v5 =	vld [tilespmem:$0x480]  }
0x120: {  	v62 =	vld [tilespmem:$0x490]  }
0x121: {  	v63 =	vld [tilespmem:$0x590];
	_ =	sdelay $0x2  }
0x122: {  	v5 =	vshll.u32 v5, $0xA  }
0x123: {  	v4 =	vadd.s32 v4, v5;
	v5 =	vshll.u32 v62, $0xA  }
0x124: {  	s15 =	simm.s32 $0x0;
	s16 =	rddreg [dreg:$0xf];
	[tilespmem:$0x580] =	vst v4;
	v4 =	vadd.s32 v63, v5  }
0x125: {  	s18 =	simm.s32 $0x680;
	s25 =	simm.s32 $0x680;
	s17 =	rddreg [dreg:$0xe];
	[tilespmem:$0x590] =	vst v4  }
0x126: {  	[tilespmem:s18], [sflag:$0x6] =	stream.indirect.gather [hbm4b:s4+s31], $0x1, s5, s31, $0xb8;
	[tilespmem:$0x10780] =	vst v63  }
.LBB2_2:
0x127: {  	_ =	swait.ge [sflag:s14], $0x8000  }
0x128: {  	[sflag:s14] =	ssyncset.done $0x0  }
0x129: {  	[sflag:s14] =	ssyncadd.s32 $0xFFFF8000  }
0x12a: {  	v4 =	vld [tilespmem:$0x480];
	_ =	sdelay $0x4  }
0x12b: {  	v5 =	vshll.u32 v4, $0x3  }
0x12c: {  	v4 =	vand.u32 $0x7, v4;
	v5 =	vand.u32 $0xFFFFFFC0, v5  }
0x12d: {  	v4 =	vor.u32 v4, v5  }
0x12e: {  	v5 =	vperm.xlane v4, v1;
	_ =	sdelay $0x1  }
0x12f: {  	v5 =	vadd.s32 v2, v5;
	_ =	sdelay $0x4  }
0x130: {  	[tilespmem:s9], [sflag:$0x2] =	stream.indirect_vreg.gather [hbm4b:s1+s3], $0x80, v5, vm0, $0xb8;
	[tilespmem:$0x10780] =	vst v63  }
0x131: {  	s18 =	simm.s32 $0x8F00;
	v4 =	vperm.xlane v4, v3  }
0x132: {  	[tilespmem:s18], [sflag:$0x2] =	stream.indirect_vreg.gather [hbm4b:s10+s3], $0x80, v5, vm0, $0xb8;
	[tilespmem:$0x10780] =	vst v63  }
0x133: {  	v4 =	vadd.s32 v2, v4;
	s18 =	simm.s32 $0x9700  }
0x134: {  	[tilespmem:s18], [sflag:$0x2] =	stream.indirect_vreg.gather [hbm4b:s23+s3], $0x80, v5, vm0, $0xb8;
	[tilespmem:$0x10780] =	vst v63  }
0x135: {  	s18 =	simm.s32 $0x9F00  }
0x136: {  	[tilespmem:s18], [sflag:$0x2] =	stream.indirect_vreg.gather [hbm4b:s26+s3], $0x80, v5, vm0, $0xb8;
	[tilespmem:$0x10780] =	vst v63  }
0x137: {  	s18 =	simm.s32 $0xA700  }
0x138: {  	[tilespmem:s18], [sflag:$0x2] =	stream.indirect_vreg.gather [hbm4b:s1+s3], $0x80, v4, vm0, $0xb8;
	[tilespmem:$0x10780] =	vst v63  }
0x139: {  	s18 =	simm.s32 $0xAF00  }
0x13a: {  	[tilespmem:s18], [sflag:$0x2] =	stream.indirect_vreg.gather [hbm4b:s10+s3], $0x80, v4, vm0, $0xb8;
	[tilespmem:$0x10780] =	vst v63  }
0x13b: {  	s18 =	simm.s32 $0xB700  }
0x13c: {  	[tilespmem:s18], [sflag:$0x2] =	stream.indirect_vreg.gather [hbm4b:s23+s3], $0x80, v4, vm0, $0xb8;
	[tilespmem:$0x10780] =	vst v63  }
0x13d: {  	s18 =	simm.s32 $0xBF00  }
0x13e: {  	[tilespmem:s18], [sflag:$0x2] =	stream.indirect_vreg.gather [hbm4b:s26+s3], $0x80, v4, vm0, $0xb8;
	[tilespmem:$0x10780] =	vst v63  }
0x13f: {  	v4 =	vld [tilespmem:$0x490];
	_ =	sdelay $0x4  }
0x140: {  	v5 =	vshll.u32 v4, $0x3  }
0x141: {  	v4 =	vand.u32 $0x7, v4;
	v5 =	vand.u32 $0xFFFFFFC0, v5  }
0x142: {  	v4 =	vor.u32 v4, v5  }
0x143: {  	v5 =	vperm.xlane v4, v1;
	_ =	sdelay $0x1  }
0x144: {  	v5 =	vadd.s32 v2, v5;
	_ =	sdelay $0x3  }
0x145: {  	s18 =	simm.s32 $0xC700  }
0x146: {  	[tilespmem:s18], [sflag:$0x2] =	stream.indirect_vreg.gather [hbm4b:s1+s3], $0x80, v5, vm0, $0xb8;
	[tilespmem:$0x10780] =	vst v63  }
0x147: {  	v4 =	vperm.xlane v4, v3;
	s18 =	simm.s32 $0xCF00  }
0x148: {  	[tilespmem:s18], [sflag:$0x2] =	stream.indirect_vreg.gather [hbm4b:s10+s3], $0x80, v5, vm0, $0xb8;
	[tilespmem:$0x10780] =	vst v63  }
0x149: {  	v4 =	vadd.s32 v2, v4;
	s18 =	simm.s32 $0xD700  }
0x14a: {  	[tilespmem:s18], [sflag:$0x2] =	stream.indirect_vreg.gather [hbm4b:s23+s3], $0x80, v5, vm0, $0xb8;
	[tilespmem:$0x10780] =	vst v63  }
0x14b: {  	_ = 	snop  }
0x14c: {  	[tilespmem:s29], [sflag:$0x2] =	stream.indirect_vreg.gather [hbm4b:s26+s3], $0x80, v5, vm0, $0xb8;
	[tilespmem:$0x10780] =	vst v63  }
0x14d: {  	_ = 	snop  }
0x14e: {  	[tilespmem:s0], [sflag:$0x2] =	stream.indirect_vreg.gather [hbm4b:s1+s3], $0x80, v4, vm0, $0xb8;
	[tilespmem:$0x10780] =	vst v63  }
0x14f: {  	_ = 	snop  }
0x150: {  	[tilespmem:s8], [sflag:$0x2] =	stream.indirect_vreg.gather [hbm4b:s10+s3], $0x80, v4, vm0, $0xb8;
	[tilespmem:$0x10780] =	vst v63  }
0x151: {  	_ = 	snop  }
0x152: {  	[tilespmem:s21], [sflag:$0x2] =	stream.indirect_vreg.gather [hbm4b:s23+s3], $0x80, v4, vm0, $0xb8;
	[tilespmem:$0x10780] =	vst v63  }
0x153: {  	_ = 	snop  }
0x154: {  	[tilespmem:s22], [sflag:$0x2] =	stream.indirect_vreg.gather [hbm4b:s26+s3], $0x80, v4, vm0, $0xb8;
	[tilespmem:$0x10780] =	vst v63  }
0x155: {  	_ =	swait.ge [sflag:s2], $0x8000  }
0x156: {  	[sflag:s2] =	ssyncset.done $0x0  }
0x157: {  	[sflag:s2] =	ssyncadd.s32 $0xFFFF8000  }
0x158: {  	_ =	swait.ge [sflag:s6], $0x20  }
0x159: {  	[sflag:s6] =	ssyncset.done $0x0  }
0x15a: {  	[sflag:s6] =	ssyncadd.s32 $0xFFFFFFE0  }
0x15b: {  	v4 =	vld [tilespmem:$0x400];
	_ =	sdelay $0x6  }
0x15c: {  	v5 =	vld [tilespmem:$0x600]  }
0x15d: {  	v4 =	vld.idx.msk [tilespmem:v4+s3+$0x0], $0xffff  }
0x15e: {  	v6 =	vld [tilespmem:$0x10700]  }
0x15f: {  	v7 =	vld [tilespmem:$0x410];
	_ =	sdelay $0x2  }
0x160: {  	v4 =	vsub.f32 v4, v5;
	_ =	sdelay $0x1  }
0x161: {  	v4 =	vadd.f32 v4, v6;
	_ =	sdelay $0x1  }
0x162: {  	v63 =	vld [tilespmem:$0x610];
	[tilespmem:$0x10700] =	vst v4  }
0x163: {  	v5 =	vld.idx.msk [tilespmem:v7+s3+$0x0], $0xffff;
	_ =	sdelay $0x4  }
0x164: {  	p0 =	seq.s32 s15, $0x310;
	v5 =	vsub.f32 v5, v63  }
.Ltmp2:
0x165: {  	_ = 	snop;
	(pc) =	sbr.rel @!p0 .LBB2_3-.Ltmp2, $3  }
0x166: {  	v4 =	vadd.f32 v5, v4;
	_ =	sdelay $0x1  }
0x167: {  	[tilespmem:$0x10700] =	vst v4  }
0x168: {  	[hbm4b:s16+s3] =	stream.linear.scatter [tilespmem:s7], [sflag:$0x3], $0x8000, $0x38;
	[tilespmem:$0x10780] =	vst v63  }
.Ltmp3:
0x169: {  	(pc) =	sbr.rel .LBB2_5-.Ltmp3, $4  }
0x16a: {  	_ = 	snop  }
0x16b: {  	_ =	swait.ge [sflag:s11], $0x8000  }
0x16c: {  	[sflag:s11] =	ssyncset.done $0x0  }
0x16d: {  	[sflag:s11] =	ssyncadd.s32 $0xFFFF8000  }
.LBB2_3:
0x16e: {  	s18 =	rddreg [dreg:$0x11]  }
0x16f: {  	s24 =	simm.s32 $0x400;
	s18 =	sadd.s32 s15, s18  }
0x170: {  	[tilespmem:s24], [sflag:$0x7] =	stream.linear.gather [hbm4b:s18+s3], $0x20, $0x38;
	[tilespmem:$0x10780] =	vst v63  }
0x171: {  	_ =	swait.ge [sflag:s28], $0x20  }
0x172: {  	[sflag:s28] =	ssyncset.done $0x0;
	s18 =	rddreg [dreg:$0x10]  }
0x173: {  	[sflag:s28] =	ssyncadd.s32 $0xFFFFFFE0;
	s18 =	sadd.s32 s15, s18  }
0x174: {  	[tilespmem:s30], [sflag:$0x7] =	stream.linear.gather [hbm4b:s18+s3], $0x20, $0x38;
	[tilespmem:$0x10780] =	vst v63  }
0x175: {  	_ =	swait.ge [sflag:s28], $0x20  }
0x176: {  	[sflag:s28] =	ssyncset.done $0x0  }
0x177: {  	[sflag:s28] =	ssyncadd.s32 $0xFFFFFFE0  }
0x178: {  	v4 =	vld [tilespmem:$0x500]  }
0x179: {  	v5 =	vld [tilespmem:$0x400]  }
0x17a: {  	v6 =	vld [tilespmem:$0x410]  }
0x17b: {  	v7 =	vld [tilespmem:$0x510];
	_ =	sdelay $0x2  }
0x17c: {  	v5 =	vshll.u32 v5, $0xA  }
0x17d: {  	v4 =	vadd.s32 v4, v5;
	v5 =	vshll.u32 v6, $0xA  }
0x17e: {  	[tilespmem:$0x500] =	vst v4;
	v4 =	vadd.s32 v7, v5  }
0x17f: {  	s18 =	simm.s32 $0x600;
	[tilespmem:$0x510] =	vst v4  }
0x180: {  	[tilespmem:s18], [sflag:$0x5] =	stream.indirect.gather [hbm4b:s4+s31], $0x1, s30, s31, $0xb8;
	[tilespmem:$0x10780] =	vst v63  }
0x181: {  	_ =	swait.ge [sflag:s11], $0x8000  }
0x182: {  	[sflag:s11] =	ssyncset.done $0x0  }
0x183: {  	[sflag:s11] =	ssyncadd.s32 $0xFFFF8000  }
0x184: {  	v4 =	vld [tilespmem:$0x400];
	_ =	sdelay $0x4  }
0x185: {  	v5 =	vshll.u32 v4, $0x3  }
0x186: {  	v4 =	vand.u32 $0x7, v4;
	v5 =	vand.u32 $0xFFFFFFC0, v5  }
0x187: {  	v4 =	vor.u32 v4, v5  }
0x188: {  	v5 =	vperm.xlane v4, v1;
	_ =	sdelay $0x1  }
0x189: {  	v5 =	vadd.s32 v2, v5;
	_ =	sdelay $0x4  }
0x18a: {  	[tilespmem:s7], [sflag:$0x1] =	stream.indirect_vreg.gather [hbm4b:s1+s3], $0x80, v5, vm0, $0xb8;
	[tilespmem:$0x10780] =	vst v63  }
0x18b: {  	s18 =	simm.s32 $0xF00;
	v4 =	vperm.xlane v4, v3  }
0x18c: {  	[tilespmem:s18], [sflag:$0x1] =	stream.indirect_vreg.gather [hbm4b:s10+s3], $0x80, v5, vm0, $0xb8;
	[tilespmem:$0x10780] =	vst v63  }
0x18d: {  	v4 =	vadd.s32 v2, v4;
	s18 =	simm.s32 $0x1700  }
0x18e: {  	[tilespmem:s18], [sflag:$0x1] =	stream.indirect_vreg.gather [hbm4b:s23+s3], $0x80, v5, vm0, $0xb8;
	[tilespmem:$0x10780] =	vst v63  }
0x18f: {  	s18 =	simm.s32 $0x1F00  }
0x190: {  	[tilespmem:s18], [sflag:$0x1] =	stream.indirect_vreg.gather [hbm4b:s26+s3], $0x80, v5, vm0, $0xb8;
	[tilespmem:$0x10780] =	vst v63  }
0x191: {  	s18 =	simm.s32 $0x2700  }
0x192: {  	[tilespmem:s18], [sflag:$0x1] =	stream.indirect_vreg.gather [hbm4b:s1+s3], $0x80, v4, vm0, $0xb8;
	[tilespmem:$0x10780] =	vst v63  }
0x193: {  	s18 =	simm.s32 $0x2F00  }
0x194: {  	[tilespmem:s18], [sflag:$0x1] =	stream.indirect_vreg.gather [hbm4b:s10+s3], $0x80, v4, vm0, $0xb8;
	[tilespmem:$0x10780] =	vst v63  }
0x195: {  	s18 =	simm.s32 $0x3700  }
0x196: {  	[tilespmem:s18], [sflag:$0x1] =	stream.indirect_vreg.gather [hbm4b:s23+s3], $0x80, v4, vm0, $0xb8;
	[tilespmem:$0x10780] =	vst v63  }
0x197: {  	s18 =	simm.s32 $0x3F00  }
0x198: {  	[tilespmem:s18], [sflag:$0x1] =	stream.indirect_vreg.gather [hbm4b:s26+s3], $0x80, v4, vm0, $0xb8;
	[tilespmem:$0x10780] =	vst v63  }
0x199: {  	v4 =	vld [tilespmem:$0x410];
	_ =	sdelay $0x4  }
0x19a: {  	v5 =	vshll.u32 v4, $0x3  }
0x19b: {  	v4 =	vand.u32 $0x7, v4;
	v5 =	vand.u32 $0xFFFFFFC0, v5  }
0x19c: {  	v4 =	vor.u32 v4, v5  }
0x19d: {  	v5 =	vperm.xlane v4, v1;
	_ =	sdelay $0x1  }
0x19e: {  	v5 =	vadd.s32 v2, v5;
	_ =	sdelay $0x3  }
0x19f: {  	s18 =	simm.s32 $0x4700  }
0x1a0: {  	[tilespmem:s18], [sflag:$0x1] =	stream.indirect_vreg.gather [hbm4b:s1+s3], $0x80, v5, vm0, $0xb8;
	[tilespmem:$0x10780] =	vst v63  }
0x1a1: {  	v4 =	vperm.xlane v4, v3;
	s18 =	simm.s32 $0x4F00  }
0x1a2: {  	[tilespmem:s18], [sflag:$0x1] =	stream.indirect_vreg.gather [hbm4b:s10+s3], $0x80, v5, vm0, $0xb8;
	[tilespmem:$0x10780] =	vst v63  }
0x1a3: {  	v4 =	vadd.s32 v2, v4;
	s18 =	simm.s32 $0x5700  }
0x1a4: {  	[tilespmem:s18], [sflag:$0x1] =	stream.indirect_vreg.gather [hbm4b:s23+s3], $0x80, v5, vm0, $0xb8;
	[tilespmem:$0x10780] =	vst v63  }
0x1a5: {  	s18 =	simm.s32 $0x5F00  }
0x1a6: {  	[tilespmem:s18], [sflag:$0x1] =	stream.indirect_vreg.gather [hbm4b:s26+s3], $0x80, v5, vm0, $0xb8;
	[tilespmem:$0x10780] =	vst v63  }
0x1a7: {  	s18 =	simm.s32 $0x6700  }
0x1a8: {  	[tilespmem:s18], [sflag:$0x1] =	stream.indirect_vreg.gather [hbm4b:s1+s3], $0x80, v4, vm0, $0xb8;
	[tilespmem:$0x10780] =	vst v63  }
0x1a9: {  	s18 =	simm.s32 $0x6F00  }
0x1aa: {  	[tilespmem:s18], [sflag:$0x1] =	stream.indirect_vreg.gather [hbm4b:s10+s3], $0x80, v4, vm0, $0xb8;
	[tilespmem:$0x10780] =	vst v63  }
0x1ab: {  	s18 =	simm.s32 $0x7700  }
0x1ac: {  	[tilespmem:s18], [sflag:$0x1] =	stream.indirect_vreg.gather [hbm4b:s23+s3], $0x80, v4, vm0, $0xb8;
	[tilespmem:$0x10780] =	vst v63  }
0x1ad: {  	s24 =	simm.s32 $0x480;
	s18 =	simm.s32 $0x7F00  }
0x1ae: {  	[tilespmem:s18], [sflag:$0x1] =	stream.indirect_vreg.gather [hbm4b:s26+s3], $0x80, v4, vm0, $0xb8;
	[tilespmem:$0x10780] =	vst v63  }
.LBB2_5:
0x1af: {  	_ =	swait.ge [sflag:s12], $0x8000  }
0x1b0: {  	[sflag:s12] =	ssyncset.done $0x0  }
0x1b1: {  	[sflag:s12] =	ssyncadd.s32 $0xFFFF8000  }
0x1b2: {  	_ =	swait.ge [sflag:s13], $0x20  }
0x1b3: {  	[sflag:s13] =	ssyncset.done $0x0  }
0x1b4: {  	[sflag:s13] =	ssyncadd.s32 $0xFFFFFFE0  }
0x1b5: {  	v4 =	vld [tilespmem:$0x480];
	_ =	sdelay $0x6  }
0x1b6: {  	v5 =	vld [tilespmem:$0x680]  }
0x1b7: {  	v4 =	vld.idx.msk [tilespmem:v4+s3+$0x0], $0xffff  }
0x1b8: {  	v6 =	vld [tilespmem:$0x10700]  }
0x1b9: {  	v7 =	vld [tilespmem:$0x490];
	_ =	sdelay $0x2  }
0x1ba: {  	v4 =	vsub.f32 v4, v5;
	_ =	sdelay $0x1  }
0x1bb: {  	v4 =	vadd.f32 v4, v6;
	_ =	sdelay $0x1  }
0x1bc: {  	v63 =	vld [tilespmem:$0x690];
	[tilespmem:$0x10700] =	vst v4  }
0x1bd: {  	v5 =	vld.idx.msk [tilespmem:v7+s3+$0x0], $0xffff;
	_ =	sdelay $0x4  }
0x1be: {  	v5 =	vsub.f32 v5, v63  }
.Ltmp4:
0x1bf: {  	_ = 	snop;
	(pc) =	sbr.rel @p0 .LBB2_7-.Ltmp4, $3  }
0x1c0: {  	v4 =	vadd.f32 v5, v4;
	_ =	sdelay $0x1  }
0x1c1: {  	[tilespmem:$0x10700] =	vst v4  }
0x1c2: {  	[hbm4b:s17+s3] =	stream.linear.scatter [tilespmem:s9], [sflag:$0x4], $0x8000, $0x38;
	[tilespmem:$0x10780] =	vst v63  }
0x1c3: {  	s18 =	sadd.s32 s15, s20  }
0x1c4: {  	[tilespmem:s24], [sflag:$0x7] =	stream.linear.gather [hbm4b:s18+s3], $0x20, $0x38;
	[tilespmem:$0x10780] =	vst v63  }
0x1c5: {  	_ =	swait.ge [sflag:s28], $0x20  }
0x1c6: {  	[sflag:s28] =	ssyncset.done $0x0  }
0x1c7: {  	s18 =	sadd.s32 s15, s19;
	[sflag:s28] =	ssyncadd.s32 $0xFFFFFFE0  }
0x1c8: {  	[tilespmem:s5], [sflag:$0x7] =	stream.linear.gather [hbm4b:s18+s3], $0x20, $0x38;
	[tilespmem:$0x10780] =	vst v63  }
0x1c9: {  	_ =	swait.ge [sflag:s28], $0x20  }
0x1ca: {  	[sflag:s28] =	ssyncset.done $0x0  }
0x1cb: {  	[sflag:s28] =	ssyncadd.s32 $0xFFFFFFE0  }
0x1cc: {  	v4 =	vld [tilespmem:$0x580]  }
0x1cd: {  	v5 =	vld [tilespmem:$0x480]  }
0x1ce: {  	v6 =	vld [tilespmem:$0x490]  }
0x1cf: {  	v7 =	vld [tilespmem:$0x590];
	_ =	sdelay $0x2  }
.Ltmp5:
0x1d0: {  	v5 =	vshll.u32 v5, $0xA;
	(pc) =	sbr.rel .LBB2_2-.Ltmp5, $4  }
0x1d1: {  	v4 =	vadd.s32 v4, v5;
	v5 =	vshll.u32 v6, $0xA  }
0x1d2: {  	[tilespmem:$0x580] =	vst v4;
	v4 =	vadd.s32 v7, v5  }
0x1d3: {  	s17 =	sadd.s32 $0x2000, s17;
	s16 =	sadd.s32 $0x2000, s16;
	s15 =	sadd.s32 $0x8, s15;
	[tilespmem:$0x590] =	vst v4  }
0x1d4: {  	[tilespmem:s25], [sflag:$0x6] =	stream.indirect.gather [hbm4b:s4+s31], $0x1, s5, s31, $0xb8;
	[tilespmem:$0x10780] =	vst v63  }
.LBB2_8:
0x1d5: {  	_ =	sfence.sel $0x180000  }
0x1d6: {  	[bflag:$0x0] =	sbarrier.arrive $0xFFFF  }
0x1d7: {  	_ =	strace $0x90000047  }
0x1d8: {  	s0 =	stileid.u32;
	[bflag:$0x2] =	sbarrier.arrive $0xFFFF  }
0x1d9: {  	p0 =	sne.s32 s0, $0x0;
	s0 =	rddreg [dreg:$0x2]  }
0x1da: {  	s0 =	sadd.s32 @!p0 $0x100000, s0  }
0x1db: {  	[sflag:s0] =	ssyncadd.tile.s32 @!p0 $0x1;
	_ =	shalt  }
.Lfunc_end2:
_tile_overlayer_lowered:
.L_overlay_start_2:
0x1dc: {  	(tag) =	ssettag $0x2  }
0x1dd: {  	s0 =	rddreg [dreg:$0x0];
	s2 =	stileid.u32  }
0x1de: {  	s1 =	rddreg [dreg:$0x1];
	p0 =	sne.s32 s2, $0x0  }
0x1df: {  	s3 =	rddreg [dreg:$0x2];
	[bflag:$0x3] =	sbarrier.arrive $0xFFFF;
	s2 =	simm.s32 @!p0 $0x1C07  }
0x1e0: {  	[timem:s3], [sflag:s2] =	dma.local @!p0 [hbm:s0], s1  }
0x1e1: {  	s0 =	simm.s32 @!p0 $0x7  }
0x1e2: {  	_ =	swait.ge @!p0 [sflag:s0], s1  }
0x1e3: {  	s1 =	ssub.s32 @!p0 $0x0, s1;
	[sflag:s0] =	ssyncset.done @!p0 $0x0  }
0x1e4: {  	[sflag:s0] =	ssyncadd.s32 @!p0 s1  }
0x1e5: {  	[bflag:$0x3] =	sbarrier.arrive $0xFFFF  }
0x1e6: {  	_ =	shalt  }

// kernel: sparse-core-data-format-call.cloned.1.call-start
scs
called_computation_lowered:
.L_overlay_start_0:
0x0: {  	s2 =	sld [smem:$0x3FD9]  }
0x1: {  	s3 =	sld [smem:$0x3FFE];
	_ =	sdelay $0x1  }
0x2: {  	s1 =	srdreg.scid  }
0x3: {  	s0 =	sand.u32 $0x1, s1  }
0x4: {  	s15 =	sshll.u32 s0, $0xA;
	s2 =	sadd.s32 s3, s2  }
0x5: {  	s2 =	sadd.s32 s2, s15  }
0x6: {  	[smem:$0x3FC5] =	sst s2  }
0x7: {  	_ = 	snop  }
0x8: {  	s2 =	sld [smem:$0x3FD0];
	_ =	sdelay $0x2  }
0x9: {  	s16 =	simm.s32 $0xA;
	s4 =	simm.s32 $0x10  }
0xa: {  	[smem:s4], [sflag:s16] =	dma.local [hbm:s2], $0x1  }
0xb: {  	_ =	swait.eq [sflag:s16], $0x1  }
0xc: {  	[sflag:s16] =	ssyncset.done $0x0  }
0xd: {  	[sflag:s16] =	ssyncadd.s32 $0xFFFFFFFF  }
0xe: {  	s17 =	sld [smem:$0x10];
	(tm) =	ssettm $0x1  }
0xf: {  	s18 =	sld [smem:$0x3FFB];
	_ =	sdelay $0x3  }
0x10: {  	_ =	strace s18  }
0x11: {  	s3 =	sld [smem:$0x3FFC];
	_ =	sdelay $0x3  }
0x12: {  	_ =	strace s3  }
0x13: {  	s3 =	sld [smem:$0x3FFD];
	_ =	sdelay $0x3  }
0x14: {  	_ =	strace s3  }
0x15: {  	_ =	strace $0x8FFFFFFF  }
0x16: {  	s19 =	sld [smem:$0x3FDB];
	_ =	sdelay $0x1  }
0x17: {  	s20 =	simm.s32 $_scs_section_size  }
0x18: {  	s5 =	simm.s32 $_size__tile_overlayer_lowered;
	s6 =	simm.s32 $_tile_overlayer_lowered  }
0x19: {  	s23 =	simm.s32 $0x1BFF;
	s22 =	sshll.u32 s6, $0x1;
	s3 =	sadd.s32 s20, s19  }
0x1a: {  	s7 =	simm.s32 $0x0;
	s21 =	sshll.u32 s5, $0x1;
	s5 =	sadd.s32 s22, s3  }
0x1b: {  	[timem:s7], [sflag:s23] =	dma.local [hbm:s5], s21  }
0x1c: {  	_ =	swait.ge [sflag:s23], s21  }
0x1d: {  	s4 =	ssub.s32 $0x0, s21;
	[sflag:s23] =	ssyncset.done $0x0  }
0x1e: {  	[sflag:s23] =	ssyncadd.s32 s4;
	_ =	sdelay $0x1  }
0x1f: {  	s24 =	simm.s32 $0x1B8B  }
0x20: {  	_ =	swait.ge [sflag:s24], $0x1  }
0x21: {  	[sflag:s24] =	ssyncset.done $0x0  }
0x22: {  	s26 =	simm.s32 $0x1B8E;
	s25 =	sld [smem:$0x3FFE];
	[sflag:s24] =	ssyncadd.s32 $0xFFFFFFFF  }
0x23: {  	s27 =	simm.s32 $execute0_lowered;
	[smem:$0x3FD2] =	sst s26  }
0x24: {  	s5 =	sshll.u32 s27, $0x1;
	_ =	strace $0x80000049;
	[dreg:$0x1] =	wrdreg $0xFFFFFFFF  }
0x25: {  	s28 =	simm.s32 $_size_execute0_lowered;
	s3 =	sadd.s32 s3, s5;
	[dreg:$0x0] =	wrdreg $0x0  }
0x26: {  	s5 =	sshll.u32 s28, $0x1;
	[dreg:$0x2] =	wrdreg s3  }
0x27: {  	[dreg:$0x3] =	wrdreg s5  }
0x28: {  	[dreg:$0x4] =	wrdreg $0xC0  }
0x29: {  	_ =	task [dreg:s7], $0x5FFFF  }
0x2a: {  	[dreg:$0x1] =	wrdreg $0xFFFFFFFF  }
0x2b: {  	[dreg:$0x0] =	wrdreg $0x60  }
0x2c: {  	[dreg:$0x2] =	wrdreg s25  }
0x2d: {  	[dreg:$0x3] =	wrdreg s17  }
0x2e: {  	[dreg:$0x4] =	wrdreg $0x9  }
0x2f: {  	_ =	task.clear_ibuf [dreg:s7], $0x5FFFF;
	_ =	strace $0x90000049  }
0x30: {  	s29 =	simm.s32 $0x9;
	_ =	strace $0x8000004B  }
0x31: {  	_ =	swait.ge [sflag:s29], $0x1  }
0x32: {  	[sflag:s29] =	ssyncadd.s32 $0xFFFFFFFF  }
0x33: {  	_ =	strace $0x9000004B  }
0x34: {  	_ =	sfence  }
0x35: {  	s30 =	sld [smem:$0x0];
	_ =	sdelay $0x2  }
0x36: {  	s31 =	sshll.u32 s1, $0xD;
	s1 =	sshrl.u32 s1, $0x2  }
0x37: {  	s3 =	sand.u32 $0x4000, s31;
	s1 =	sadd.s32 s1, s30  }
0x38: {  	s0 =	sor.u32 s3, s0;
	s1 =	sshll.u32 s1, $0x11  }
0x39: {  	s0 =	sor.u32 s1, s0  }
0x3a: {  	s0 =	sadd.s32 $0x8F2B, s0  }
0x3b: {  	[sflag:s0] =	ssyncadd.remote.s32 $0x1  }
0x3c: {  	_ =	sfence.sel $0xFFFF  }
0x3d: {  	[dreg:$0x0] =	wrdreg $0xFFFFFFFF;
	(pc) =	sbr.abs _section_cstart, $3  }
0x3e: {  	[dreg:$0x1] =	wrdreg $0xFFFFFFFF  }
0x3f: {  	_ =	task.clear_ibuf [dreg:s7], $0x2FFFF;
	_ =	strace $0x9FFFFFFF  }
0x40: {  	(tm) =	ssettm $0x7FFFFFFF  }
0x41: {  	_ =	shalt  }
tec
execute0_lowered:
.L_overlay_start_1:
0x0: {  	(tag) =	ssettag $0x1  }
0x1: {  	s0 =	srdreg.scid;
	s5 =	rddreg [dreg:$0x0]  }
0x2: {  	s3 =	rddreg [dreg:$0x1];
	s1 =	sshll.u32 s0, $0x4  }
0x3: {  	s7 =	simm.s32 $0x1;
	s0 =	stileid.u32;
	s1 =	sand.u32 $0x10, s1  }
0x4: {  	s8 =	simm.s32 $0x2;
	s15 =	simm.s32 $0x0;
	s1 =	sor.u32 s0, s1  }
0x5: {  	s14 =	simm.s32 $0x0;
	s9 =	simm.s32 $0x0;
	s2 =	sshll.u32 s1, $0x7  }
0x6: {  	s10 =	simm.s32 $0x0;
	s11 =	simm.s32 $0x0;
	s6 =	ssub.s32 $0x32000, s2  }
0x7: {  	s13 =	simm.s32 $0x0;
	s5 =	sadd.s32 $0x2CC00, s5;
	s4 =	sand.u32 $0xF80, s6  }
.Ltmp0:
0x8: {  	s1 =	rddreg [dreg:$0x2];
	p0 =	sne.s32 s4, $0x0;
	(pc) =	sbr.rel .LBB1_1-.Ltmp0, $4  }
0x9: {  	_ =	strace $0x8000004A;
	s6 =	sshrl.u32 s6, $0xC;
	s7 =	simm.s32 @!p0 $0x0  }
0xa: {  	s12 =	smov.u32 s2;
	s4 =	simm.s32 $0x1;
	s6 =	sadd.s32 s7, s6  }
0xb: {  	[sflag:s4] =	ssyncpa.u1 $0x0;
	p0 =	por $0x0, $0x0;
	s6 =	sshll.u32 s6, $0x3  }
0xc: {  	[sflag:s8] =	ssyncpa.u1 $0x0;
	s8 =	simm.s32 $0x190000;
	s7 =	sor.u32 $0x1, s6  }
.LBB1_4:
0xd: {  	s21 =	sshrl.u32 s9, $0x3;
	s22 =	sshll.u32 s10, $0x3  }
0xe: {  	s20 =	sshra.s32 s20, $0x2;
	s23 =	sshll.u32 s9, $0x7;
	s24 =	sand.u32 $0x7F, s10  }
0xf: {  	p1 =	sgt.s32 s9, $0x368;
	s28 =	sshra.s32 s9, $0x1F;
	s21 =	smul.u32 $0x190000, s21  }
0x10: {  	s29 =	sshra.s32 s10, $0x1F;
	s22 =	sand.u32 $0xFFFFFC00, s22;
	s25 =	sand.u32 $0x380, s23  }
0x11: {  	s19 =	sadd.s32 s20, s19;
	s26 =	sor.u32 s24, s25;
	s21 =	sadd.s32 s22, s21  }
0x12: {  	s27 =	smulhi.u32 $0x51EB851F, s21;
	s20 =	sor.u32 s21, s26;
	s21 =	smov.u32 s9  }
0x13: {  	v5 =	vld [tilespmem:s17+$0xFFFFFFD0];
	[tilespmem:s18+$0x2040 ss:$0x81] =	vst.msk $0xffff, v4;
	s23 =	sand.u32 s28, s9;
	s24 =	sand.u32 s29, s10;
	s21 =	simm.s32 @!p1 $0x368  }
0x14: {  	v58 =	vld [tilespmem:s17+$0xFFFFFFE0];
	[tilespmem:s18+$0x2850 ss:$0x81] =	vst.msk $0xffff, v3;
	p1 =	sgt.s32 s10, $0x31F80;
	s30 =	smulhi.u32 $0x51EB851F, s20;
	s22 =	sshrl.u32 s27, $0x10  }
0x15: {  	v59 =	vld [tilespmem:s17+$0xFFFFFFF0];
	[tilespmem:s18+$0x3060 ss:$0x81] =	vst.msk $0xffff, v2;
	s21 =	ssub.s32 s21, s23;
	s23 =	smov.u32 s10;
	s25 =	smul.u32 $0x8313, s22  }
0x16: {  	v60 =	vld [tilespmem:s17+$0x0];
	[tilespmem:s18+$0x0 ss:$0x81] =	vst.msk $0xffff, v0;
	s23 =	simm.s32 @!p1 $0x31F80;
	s31 =	sadd.s32 $0xFFFFFC98, s21;
	s18 =	sshrl.u32 s30, $0x10  }
0x17: {  	v61 =	vld [tilespmem:s17+$0x10];
	[tilespmem:s19+$0x3870 ss:$0x81] =	vst.msk $0xffff, v1;
	s23 =	ssub.s32 s23, s24;
	s28 =	smul.u32 $0x32000, s18;
	s25 =	sshrl.u32 s25, $0x19  }
0x18: {  	v62 =	vld [tilespmem:s17+$0x20];
	[tilespmem:s19+$0x810 ss:$0x81] =	vst.msk $0xffff, v5;
	p1 =	sgt.s32 s31, $0x7F;
	s26 =	sadd.s32 $0xFFFCE080, s23;
	s27 =	smul.u32 $0x3E8, s25  }
0x19: {  	v63 =	vld [tilespmem:s17+$0xFFFFFFC0];
	[tilespmem:s19+$0x1020 ss:$0x81] =	vst.msk $0xffff, v58;
	s18 =	ssub.s32 $0x3E8, s21;
	s21 =	ssub.s32 $0x32000, s23;
	p2 =	sgt.s32 s26, $0x7F  }
0x1a: {  	[tilespmem:s19+$0x1830 ss:$0x81] =	vst.msk $0xffff, v59;
	s18 =	simm.s32 @p1 $0x0;
	s21 =	simm.s32 @p2 $0x0;
	s22 =	ssub.s32 s22, s27  }
0x1b: {  	[tilespmem:s19+$0x2040 ss:$0x81] =	vst.msk $0xffff, v60;
	s17 =	ssub.s32 s20, s28;
	s18 =	smul.u32 s21, s18;
	s29 =	sand.u32 $0xFFFF, s22  }
0x1c: {  	[tilespmem:s19+$0x2850 ss:$0x81] =	vst.msk $0xffff, v61;
	s30 =	sshrl.u32 s17, $0x3;
	s17 =	sand.u32 $0x7, s17;
	s20 =	smul.u32 $0x6400, s29  }
0x1d: {  	[tilespmem:s19+$0x3060 ss:$0x81] =	vst.msk $0xffff, v62;
	s21 =	sadd.s32 s3, s30;
	s17 =	sshll.u32 s17, $0x12  }
0x1e: {  	[tilespmem:s19+$0x0 ss:$0x81] =	vst.msk $0xffff, v63;
	s17 =	sor.u32 $0x400, s17;
	s18 =	sand.u32 $0x3FFFFFFF, s18;
	s31 =	sadd.s32 s20, s21  }
0x1f: {  	[hbm4b:s31+s17] =	stream.strided.scatter [tilespmem:s16], [sflag:$0x2], s18, s8, s17, $0x20;
	[tilespmem:$0x10100] =	vst v63  }
.LBB1_5:
0x20: {  	p1 =	slt.u32 s13, $0x2  }
0x21: {  	s17 =	smov.u32 s15;
	p2 =	sgt.s32 @!p1 s15, $0x368;
	s16 =	sshra.s32 @!p1 s15, $0x1F  }
0x22: {  	p3 =	sgt.s32 @!p1 s14, $0x31F80;
	s18 =	sshra.s32 @!p1 s14, $0x1F;
	p2 =	por !p2, p1  }
0x23: {  	s15 =	sand.u32 @!p1 s16, s15;
	p3 =	por !p3, p1;
	s16 =	smov.u32 s14  }
0x24: {  	s14 =	sand.u32 @!p1 s18, s14;
	s17 =	simm.s32 @p2 $0x368;
	s16 =	simm.s32 @p3 $0x31F80  }
0x25: {  	s15 =	ssub.s32 @!p1 s17, s15;
	s14 =	ssub.s32 @!p1 s16, s14  }
0x26: {  	s18 =	smov.u32 s12;
	s16 =	sadd.s32 @!p1 $0xFFFFFC98, s15;
	s17 =	sadd.s32 @!p1 $0xFFFCE080, s14  }
0x27: {  	s15 =	ssub.s32 @!p1 $0x3E8, s15;
	p2 =	sgt.s32 @!p1 s16, $0x7F;
	p3 =	sgt.s32 @!p1 s17, $0x7F  }
0x28: {  	s14 =	ssub.s32 @!p1 $0x32000, s14;
	p2 =	por !p2, p1;
	p3 =	por !p3, p1  }
0x29: {  	s16 =	sadd.s32 $0x80, s11;
	s15 =	simm.s32 @!p2 $0x0;
	s14 =	simm.s32 @!p3 $0x0  }
0x2a: {  	p2 =	sgt.s32 s16, $0x3E7;
	s14 =	smul.u32 @!p1 s14, s15;
	s15 =	sadd.s32 $0x1000, s12  }
0x2b: {  	s18 =	smov.u32 @p2 s15  }
0x2c: {  	s16 =	simm.s32 @p2 $0x0;
	p2 =	sgt.s32 s18, $0x31FFF  }
0x2d: {  	s18 =	smov.u32 @p2 s2;
	p2 =	sne.s32 s13, s7  }
.Ltmp1:
0x2e: {  	p0 =	por !p0, !p0;
	s17 =	simm.s32 @!p1 $0x2;
	(pc) =	sbr.rel @!p2 .LBB1_6-.Ltmp1, $4  }
0x2f: {  	s15 =	smov.u32 s9;
	s9 =	smov.u32 s11;
	s14 =	sand.u32 @!p1 $0x3FFFFFFF, s14  }
0x30: {  	s11 =	smov.u32 s16;
	_ =	swait.ge @!p1 [sflag:s17], s14;
	s19 =	ssub.s32 @!p1 $0x0, s14  }
0x31: {  	s14 =	smov.u32 s10;
	s13 =	sadd.s32 $0x1, s13;
	[sflag:s17] =	ssyncset.done @!p1 $0x0  }
0x32: {  	s10 =	smov.u32 s12;
	s12 =	smov.u32 s18;
	[sflag:s17] =	ssyncadd.s32 @!p1 s19  }
.LBB1_1:
0x33: {  	p1 =	sge.u32 s13, s6  }
0x34: {  	s16 =	sshll.u32 @!p1 s12, $0xA  }
0x35: {  	s17 =	sshll.u32 @!p1 s11, $0x3;
	s16 =	sand.u32 @!p1 $0xFFFFE000, s16  }
0x36: {  	s16 =	sadd.s32 @!p1 s16, s17  }
0x37: {  	s16 =	sshrl.u32 @!p1 s16, $0xA  }
0x38: {  	s17 =	smulhi.u32 @!p1 $0x28F5C3, s16  }
0x39: {  	s18 =	sxor.u32 @!p1 $0xFFFFFFFF, s13  }
0x3a: {  	s19 =	sshll.u32 @!p1 s12, $0x7;
	s20 =	sand.u32 @!p1 $0x78, s11;
	s17 =	sshrl.u32 @!p1 s17, $0x7  }
0x3b: {  	s18 =	sshll.u32 @!p1 s18, $0xE;
	s19 =	sand.u32 @!p1 $0x380, s19;
	s17 =	smul.u32 @!p1 $0x32000, s17  }
0x3c: {  	s31 =	sadd.s32 $0xFFFFFFFF, s13;
	s19 =	sor.u32 @!p1 s20, s19;
	s18 =	sand.u32 @!p1 $0x4000, s18  }
0x3d: {  	s16 =	ssub.s32 @!p1 s16, s17;
	s17 =	sshrl.u32 @!p1 s19, $0x3;
	s19 =	sand.u32 @!p1 $0x7, s11  }
0x3e: {  	s16 =	sshll.u32 @!p1 s16, $0x7;
	s17 =	sadd.s32 @!p1 s5, s17;
	s19 =	sshll.u32 @!p1 s19, $0x12  }
0x3f: {  	s16 =	sadd.s32 @!p1 s16, s17;
	s17 =	sor.u32 @!p1 $0x400, s19;
	s19 =	simm.s32 @!p1 $0x2000  }
0x40: {  	[tilespmem:s18], [sflag:$0x1] =	stream.strided.gather @!p1 [hbm4b:s16+s17], $0x4000, s19, s17, $0x38;
	[tilespmem:$0x10100] =	vst v63  }
0x41: {  	p1 =	sge.u32 s31, s6  }
.Ltmp2:
0x42: {  	_ = 	snop;
	(pc) =	sbr.rel @p1 .LBB1_5-.Ltmp2, $1  }
0x43: {  	_ =	sdelay $0x3  }
0x44: {  	s16 =	simm.s32 $0x1  }
0x45: {  	_ =	swait.ge [sflag:s4], $0x4000;
	s16 =	simm.s32 @!p0 $0x0  }
0x46: {  	[sflag:s4] =	ssyncset.done $0x0;
	s17 =	sshll.u32 s16, $0xE  }
0x47: {  	[sflag:s4] =	ssyncadd.s32 $0xFFFFC000;
	s17 =	sor.u32 $0x40, s17  }
0x48: {  	s16 =	smul.u32 $0x10200, s16;
	v0 =	vld [tilespmem:s17+$0x30]  }
0x49: {  	v1 =	vld [tilespmem:s17+$0xFFFFFFD0]  }
0x4a: {  	s16 =	sshrl.u32 s16, $0x2;
	v5 =	vld [tilespmem:s17+$0xFFFFFFE0]  }
0x4b: {  	v6 =	vld [tilespmem:s17+$0xFFFFFFF0];
	s19 =	sor.u32 $0x8000, s16  }
0x4c: {  	s31 =	sand.u32 $0x1, s13;
	v4 =	vld [tilespmem:s17+$0x0];
	s18 =	sadd.s32 $0x0, s19  }
0x4d: {  	v3 =	vld [tilespmem:s17+$0x10];
	s16 =	smul.u32 $0x10200, s31;
	[tilespmem:s18+$0x3870 ss:$0x81] =	vst.msk $0xffff, v0  }
0x4e: {  	v2 =	vld [tilespmem:s17+$0x20];
	[tilespmem:s18+$0x810 ss:$0x81] =	vst.msk $0xffff, v1  }
0x4f: {  	s16 =	sshrl.u32 s16, $0x2;
	v0 =	vld [tilespmem:s17+$0xFFFFFFC0];
	[tilespmem:s18+$0x1020 ss:$0x81] =	vst.msk $0xffff, v5;
	s17 =	sadd.s32 $0x80, s17  }
0x50: {  	s20 =	simm.s32 $0x4;
	s21 =	simm.s32 $0x8;
	s16 =	sor.u32 $0x8000, s16;
	[tilespmem:s18+$0x1830 ss:$0x81] =	vst.msk $0xffff, v6;
	v1 =	vld [tilespmem:s17+$0x30]  }
.LBB1_3:
0x51: {  	p1 =	sne.s32 s21, $0x1FC;
	v5 =	vld [tilespmem:s17+$0xFFFFFFD0];
	[tilespmem:s18+$0x2040 ss:$0x81] =	vst.msk $0xffff, v4  }
0x52: {  	v6 =	vld [tilespmem:s17+$0xFFFFFFE0];
	[tilespmem:s18+$0x2850 ss:$0x81] =	vst.msk $0xffff, v3  }
0x53: {  	s22 =	sshra.s32 s20, $0x2;
	s20 =	smov.u32 s21;
	v7 =	vld [tilespmem:s17+$0xFFFFFFF0];
	[tilespmem:s18+$0x3060 ss:$0x81] =	vst.msk $0xffff, v2  }
.Ltmp3:
0x54: {  	v4 =	vld [tilespmem:s17+$0x0];
	[tilespmem:s18+$0x0 ss:$0x81] =	vst.msk $0xffff, v0;
	s18 =	sadd.s32 s22, s19;
	(pc) =	sbr.rel @p1 .LBB1_3-.Ltmp3, $4  }
0x55: {  	v3 =	vld [tilespmem:s17+$0x10];
	[tilespmem:s18+$0x3870 ss:$0x81] =	vst.msk $0xffff, v1  }
0x56: {  	[tilespmem:s18+$0x810 ss:$0x81] =	vst.msk $0xffff, v5;
	v2 =	vld [tilespmem:s17+$0x20]  }
0x57: {  	v0 =	vld [tilespmem:s17+$0xFFFFFFC0];
	[tilespmem:s18+$0x1020 ss:$0x81] =	vst.msk $0xffff, v6;
	s17 =	sadd.s32 $0x80, s17  }
0x58: {  	s21 =	sadd.s32 $0x4, s21;
	v1 =	vld [tilespmem:s17+$0x30];
	[tilespmem:s18+$0x1830 ss:$0x81] =	vst.msk $0xffff, v7  }
.Ltmp4:
0x59: {  	_ = 	snop;
	(pc) =	sbr.rel .LBB1_4-.Ltmp4, $1  }
0x5a: {  	_ =	sdelay $0x3  }
.LBB1_6:
0x5b: {  	_ =	sfence.sel $0x180000  }
0x5c: {  	s2 =	simm.s32 $0x1;
	[bflag:$0x0] =	sbarrier.arrive $0xFFFF  }
0x5d: {  	s31 =	simm.s32 $0x2;
	[sflag:s2] =	ssyncpa.u1 $0x1  }
0x5e: {  	[sflag:s31] =	ssyncpa.u1 $0x1  }
0x5f: {  	p0 =	sne.s32 s0, $0x0;
	_ =	strace $0x9000004A  }
0x60: {  	s0 =	sadd.s32 @!p0 $0x100000, s1;
	[bflag:$0x2] =	sbarrier.arrive $0xFFFF  }
0x61: {  	[sflag:s0] =	ssyncadd.tile.s32 @!p0 $0x1;
	_ =	shalt  }
.Lfunc_end1:
_tile_overlayer_lowered:
.L_overlay_start_2:
0x62: {  	(tag) =	ssettag $0x2  }
0x63: {  	s0 =	rddreg [dreg:$0x0];
	s2 =	stileid.u32  }
0x64: {  	s1 =	rddreg [dreg:$0x1];
	p0 =	sne.s32 s2, $0x0  }
0x65: {  	s3 =	rddreg [dreg:$0x2];
	[bflag:$0x3] =	sbarrier.arrive $0xFFFF;
	s2 =	simm.s32 @!p0 $0x1C01  }
0x66: {  	[timem:s3], [sflag:s2] =	dma.local @!p0 [hbm:s0], s1  }
0x67: {  	s0 =	simm.s32 @!p0 $0x1  }
0x68: {  	_ =	swait.ge @!p0 [sflag:s0], s1  }
0x69: {  	s1 =	ssub.s32 @!p0 $0x0, s1;
	[sflag:s0] =	ssyncset.done @!p0 $0x0  }
0x6a: {  	[sflag:s0] =	ssyncadd.s32 @!p0 s1  }
0x6b: {  	[bflag:$0x3] =	sbarrier.arrive $0xFFFF  }
0x6c: {  	_ =	shalt  }

</sc_bundles>
